<compile_context>
chip_gen: v7x
topology: tpu7x:2x2x1
jax: 0.10.2.dev20260603
libtpu: 0.0.44.dev20260713+nightly
codegen_flags: <defaults>
</compile_context>

<pallas_src>
import jax
import jax.numpy as jnp
from jax import lax
from jax.experimental import pallas as pl
from jax.experimental.pallas import tpu as pltpu
from jax.experimental.pallas import tpu_sc as plsc

_N = 131072
_K = 256
_NBINS = 32

_NC = 2
_NS = 16
_NW = _NC * _NS
_ROWS_W = _N // _NW
_CH = 128
_NCHUNK = _ROWS_W // _CH
_CNT_PAD = (_NBINS + 1) * _K

_MM_ROWS = 8192


def _minmax_body(x_ref, sv_ref, ov_ref, hv_ref, amn_ref, amx_ref):
    i = pl.program_id(0)
    x = x_ref[...].reshape(_MM_ROWS // 8, 8, _K)
    bmn = jnp.min(x, axis=0)
    bmx = jnp.max(x, axis=0)

    @pl.when(i == 0)
    def _():
        amn_ref[...] = bmn
        amx_ref[...] = bmx

    @pl.when(i > 0)
    def _():
        amn_ref[...] = jnp.minimum(amn_ref[...], bmn)
        amx_ref[...] = jnp.maximum(amx_ref[...], bmx)

    @pl.when(i == _N // _MM_ROWS - 1)
    def _():
        r0 = jnp.min(amn_ref[...])
        r1 = jnp.max(amx_ref[...])
        denom = r1 - r0
        ok = denom > 0.0
        scale = jnp.where(ok, jnp.float32(_NBINS) / denom,
                          jnp.float32(0.0)) * jnp.float32(_K)
        off = jnp.where(ok, -r0 * scale, jnp.float32(_NBINS * _K))
        sv_ref[...] = jnp.full((1, 128), scale, jnp.float32)
        ov_ref[...] = jnp.full((1, 128), off, jnp.float32)
        hv_ref[...] = jnp.full((1, 128), r1, jnp.float32)


def _minmax(x):
    vec = jax.ShapeDtypeStruct((1, 128), jnp.float32)
    return pl.pallas_call(
        _minmax_body,
        grid=(_N // _MM_ROWS,),
        in_specs=[pl.BlockSpec((_MM_ROWS, _K), lambda i: (i, 0))],
        out_specs=[
            pl.BlockSpec((1, 128), lambda i: (0, 0)),
            pl.BlockSpec((1, 128), lambda i: (0, 0)),
            pl.BlockSpec((1, 128), lambda i: (0, 0)),
        ],
        out_shape=[vec, vec, vec],
        scratch_shapes=[
            pltpu.VMEM((8, _K), jnp.float32),
            pltpu.VMEM((8, _K), jnp.float32),
        ],
    )(x)


def _hist_body(x_hbm, sv_hbm, ov_hbm, hv_hbm, out_hbm, buf, counts,
               sv_v, ov_v, hv_v, sem0, sem1):
    cid = lax.axis_index("c")
    sid = lax.axis_index("s")
    wid = sid * _NC + cid
    base = wid * _ROWS_W
    sems = (sem0, sem1)

    def issue(ci, s):
        pltpu.async_copy(x_hbm.at[pl.ds(base + ci * _CH, _CH)], buf.at[s], sems[s])

    issue(0, 0)
    issue(1, 1)

    pltpu.sync_copy(sv_hbm, sv_v)
    pltpu.sync_copy(ov_hbm, ov_v)
    pltpu.sync_copy(hv_hbm, hv_v)
    scale = sv_v[...]
    off = ov_v[...]
    hi = hv_v[...]

    zeros16 = jnp.zeros((16,), jnp.float32)

    @plsc.parallel_loop(0, _CNT_PAD // 16, unroll=8)
    def _zero(i):
        counts[pl.ds(i * 16, 16)] = zeros16

    ones16 = jnp.ones((16,), jnp.float32)
    iota16 = lax.iota(jnp.int32, 16)

    def pair_body(p, _):
        for s in range(2):
            ci = p * 2 + s
            pltpu.make_async_copy(
                x_hbm.at[pl.ds(0, _CH)], buf.at[s], sems[s]).wait()

            for h in range(2):
                @plsc.parallel_loop(0, _CH * (_K // 32), unroll=8)
                def _vreg(v, h=h):
                    r = v // 8
                    c = (v & 7) * 16 + h * (_K // 2)
                    x = buf[s, r, pl.ds(c, 16)]
                    t = x * scale + off
                    bi256 = t.astype(jnp.int32) & jnp.int32(~255)
                    flat = bi256 + (c + iota16)
                    plsc.addupdate_scatter(counts, [flat], ones16,
                                           mask=x < hi)

            @pl.when(ci + 2 < _NCHUNK)
            def _():
                issue(ci + 2, s)

        return 0

    lax.fori_loop(0, _NCHUNK // 2, pair_body, 0)

    pltpu.sync_copy(counts.at[pl.ds(0, _NBINS * _K)], out_hbm.at[wid])


def _hist(x, scale_v, off_v, hi_v):
    mesh = plsc.VectorSubcoreMesh(core_axis_name="c", subcore_axis_name="s")
    f = pl.kernel(
        _hist_body,
        mesh=mesh,
        out_type=jax.ShapeDtypeStruct((_NW, _NBINS * _K), jnp.float32),
        scratch_types=[
            pltpu.VMEM((2, _CH, _K), jnp.float32),
            pltpu.VMEM((_CNT_PAD,), jnp.float32),
            pltpu.VMEM((16,), jnp.float32),
            pltpu.VMEM((16,), jnp.float32),
            pltpu.VMEM((16,), jnp.float32),
            pltpu.SemaphoreType.DMA,
            pltpu.SemaphoreType.DMA,
        ],
        compiler_params=pltpu.CompilerParams(needs_layout_passes=False),
    )
    return f(x, scale_v, off_v, hi_v)


def _entropy_body(parts_ref, pi_ref, out_ref):
    c = jnp.sum(parts_ref[...], axis=0)
    d = c * (1.0 / _N)
    term = -d * jnp.log(d + 1e-07)
    ent = jnp.sum(term, axis=0)
    w = 1.0 - pi_ref[...]
    out_ref[0, 0] = jnp.sum(w * ent[None, :]) / 0.6931471805599453


def _entropy(parts, pi):
    return pl.pallas_call(
        _entropy_body,
        out_specs=pl.BlockSpec(memory_space=pltpu.SMEM),
        out_shape=jax.ShapeDtypeStruct((1, 1), jnp.float32),
    )(parts, pi)


def kernel(mean_t, pi):
    sv, ov, hv = _minmax(mean_t)
    scale_v = sv[0, :16]
    off_v = ov[0, :16]
    hi_v = hv[0, :16]
    parts = _hist(mean_t, scale_v, off_v, hi_v)
    parts3 = parts.reshape(_NW, _NBINS, _K)
    ixt = _entropy(parts3, pi)
    return ixt.reshape(1)

# --- scband reference (transcript-rebuilt; emitter-appended) ---
"""Pipeline reference for scband-convex-ib-13185549599059 (READ-ONLY COPY).

The authoritative reference and input builder live on the scoring server;
editing this copy changes nothing except your own understanding.
"""

import jax, jax.numpy as jnp
import numpy as np

N = 131072
K = 256
N_BINS = 32


def hist_laxis(data, n_bins, r0, r1):
    # data: [K, N] (per-dimension rows)
    Nn = data.shape[-1]
    bins = jnp.linspace(r0, r1, n_bins + 1)
    data2D = data.reshape(-1, Nn)
    idx = jnp.searchsorted(bins, data2D, side='right') - 1
    bad_mask = (idx == -1) | (idx == n_bins)
    rows = data2D.shape[0]
    scaled_idx = n_bins * jnp.arange(rows)[:, None] + idx
    limit = n_bins * rows
    scaled_idx = jnp.where(bad_mask, limit, scaled_idx)
    counts = jnp.bincount(scaled_idx.ravel(), length=limit + 1)[:-1]
    counts = counts.reshape(data.shape[:-1] + (n_bins,)).astype(jnp.float32)
    return counts, bins[1] - bins[0]


def setup_inputs(seed: int = 0) -> dict:
    key = jax.random.key(seed)
    k1, k2 = jax.random.split(key)
    mean_t = jax.random.normal(k1, (N, K), dtype=jnp.float32)
    pi = jax.random.uniform(k2, (1, K), dtype=jnp.float32)
    return {"mean_t": mean_t, "pi": pi}


def reference(mean_t, pi):
    # Faithful translation of ConvexIB.get_IXT with method == 'drop_VIB'
    r0 = jnp.min(mean_t)
    r1 = jnp.max(mean_t)
    counts, width = hist_laxis(mean_t.T, N_BINS, r0, r1)  # [K, 32]
    counts = counts.T  # [32, K]
    density = counts / mean_t.shape[0]
    bin_entropy_est = (-density * jnp.log(density + 1e-07)).sum(axis=0)[None, :]  # [1, K]
    IXT = ((1.0 - pi) * bin_entropy_est).sum(axis=1) / np.log(2)  # [1]
    return IXT

if __name__ == "__main__":
    import jax
    _d = setup_inputs()
    print(jax.jit(kernel)(*tuple(_d.values())))

</pallas_src>

<mosaic_0001>
#map = affine_map<(d0, d1) -> (0, 0)>
#map1 = affine_map<(d0, d1) -> (0)>
module attributes {stable_mosaic.version = 14 : i64} {
  func.func @_hist_body(%arg0: i32, %arg1: i32, %arg2: memref<131072x256xf32, #tpu.memory_space<hbm>>, %arg3: memref<16xf32, #tpu.memory_space<hbm>>, %arg4: memref<16xf32, #tpu.memory_space<hbm>>, %arg5: memref<16xf32, #tpu.memory_space<hbm>>, %arg6: memref<32x8192xf32, #tpu.memory_space<hbm>>, %arg7: memref<2x128x256xf32, #tpu.memory_space<vmem>>, %arg8: memref<8448xf32, #tpu.memory_space<vmem>>, %arg9: memref<16xf32, #tpu.memory_space<vmem>>, %arg10: memref<16xf32, #tpu.memory_space<vmem>>, %arg11: memref<16xf32, #tpu.memory_space<vmem>>, %arg12: memref<!tpu.dma_semaphore, #tpu.memory_space<semaphore_mem>>, %arg13: memref<!tpu.dma_semaphore, #tpu.memory_space<semaphore_mem>>) attributes {dimension_semantics = [#tpu.dimension_semantics<core_parallel>, #tpu.dimension_semantics<subcore_parallel>], iteration_bounds = array<i64: 2, 16>, scalar_prefetch = 0 : i64, scratch_operands = 7 : i64, tpu.core_type = #tpu.core_type<sc_vector_subcore>, window_params = [{transform_indices = #map}, {transform_indices = #map1}, {transform_indices = #map1}, {transform_indices = #map1}, {transform_indices = #map}]} {
    %mul3A = arith.constant 2 : i32
    %mul3A_0 = arith.muli %arg1, %mul3A : i32
    %add3A = arith.addi %mul3A_0, %arg0 : i32
    %mul3A_1 = arith.constant 4096 : i32
    %mul3A_2 = arith.muli %add3A, %mul3A_1 : i32
    %add3A_3 = arith.constant 0 : i32
    %add3A_4 = arith.addi %mul3A_2, %add3A_3 : i32
    %dma_start3A = arith.constant 0 : i32
    %dma_start3A_5 = arith.constant 0 : i32
    %dma_start3A_6 = arith.constant 0 : i32
    %dma_start3A_7 = tpu.memref_slice %arg7[%dma_start3A, %dma_start3A_5, %dma_start3A_6] : memref<2x128x256xf32, #tpu.memory_space<vmem>> -> memref<1x128x256xf32, #tpu.memory_space<vmem>>
    %dma_start3A_8 = tpu.memref_squeeze %dma_start3A_7 : memref<1x128x256xf32, #tpu.memory_space<vmem>> -> memref<128x256xf32, #tpu.memory_space<vmem>>
    %dma_start3A_9 = arith.constant 0 : i32
    %dma_start3A_10 = tpu.memref_slice %arg2[%add3A_4, %dma_start3A_9] : memref<131072x256xf32, #tpu.memory_space<hbm>> -> memref<128x256xf32, #tpu.memory_space<hbm>>
    %dma_start3A_11 = arith.constant 0 : i32
    %dma_start3A_12 = arith.constant 0 : i32
    %dma_start3A_13 = tpu.memref_slice %arg7[%dma_start3A, %dma_start3A_11, %dma_start3A_12] : memref<2x128x256xf32, #tpu.memory_space<vmem>> -> memref<1x128x256xf32, #tpu.memory_space<vmem>>
    %dma_start3A_14 = tpu.memref_squeeze %dma_start3A_13 : memref<1x128x256xf32, #tpu.memory_space<vmem>> -> memref<128x256xf32, #tpu.memory_space<vmem>>
    %dma_start3A_15 = arith.constant 0 : i32
    %dma_start3A_16 = tpu.memref_slice %arg2[%add3A_4, %dma_start3A_15] : memref<131072x256xf32, #tpu.memory_space<hbm>> -> memref<128x256xf32, #tpu.memory_space<hbm>>
    tpu.enqueue_dma source(%dma_start3A_16 : memref<128x256xf32, #tpu.memory_space<hbm>>) target(%dma_start3A_14 : memref<128x256xf32, #tpu.memory_space<vmem>>) target_semaphore(%arg12 : memref<!tpu.dma_semaphore, #tpu.memory_space<semaphore_mem>>)
    %add3A_17 = arith.constant 128 : i32
    %add3A_18 = arith.addi %mul3A_2, %add3A_17 : i32
    %dma_start3A_19 = arith.constant 1 : i32
    %dma_start3A_20 = arith.constant 0 : i32
    %dma_start3A_21 = arith.constant 0 : i32
    %dma_start3A_22 = tpu.memref_slice %arg7[%dma_start3A_19, %dma_start3A_20, %dma_start3A_21] : memref<2x128x256xf32, #tpu.memory_space<vmem>> -> memref<1x128x256xf32, #tpu.memory_space<vmem>>
    %dma_start3A_23 = tpu.memref_squeeze %dma_start3A_22 : memref<1x128x256xf32, #tpu.memory_space<vmem>> -> memref<128x256xf32, #tpu.memory_space<vmem>>
    %dma_start3A_24 = arith.constant 0 : i32
    %dma_start3A_25 = tpu.memref_slice %arg2[%add3A_18, %dma_start3A_24] : memref<131072x256xf32, #tpu.memory_space<hbm>> -> memref<128x256xf32, #tpu.memory_space<hbm>>
    %dma_start3A_26 = arith.constant 0 : i32
    %dma_start3A_27 = arith.constant 0 : i32
    %dma_start3A_28 = tpu.memref_slice %arg7[%dma_start3A_19, %dma_start3A_26, %dma_start3A_27] : memref<2x128x256xf32, #tpu.memory_space<vmem>> -> memref<1x128x256xf32, #tpu.memory_space<vmem>>
    %dma_start3A_29 = tpu.memref_squeeze %dma_start3A_28 : memref<1x128x256xf32, #tpu.memory_space<vmem>> -> memref<128x256xf32, #tpu.memory_space<vmem>>
    %dma_start3A_30 = arith.constant 0 : i32
    %dma_start3A_31 = tpu.memref_slice %arg2[%add3A_18, %dma_start3A_30] : memref<131072x256xf32, #tpu.memory_space<hbm>> -> memref<128x256xf32, #tpu.memory_space<hbm>>
    tpu.enqueue_dma source(%dma_start3A_31 : memref<128x256xf32, #tpu.memory_space<hbm>>) target(%dma_start3A_29 : memref<128x256xf32, #tpu.memory_space<vmem>>) target_semaphore(%arg13 : memref<!tpu.dma_semaphore, #tpu.memory_space<semaphore_mem>>)
    "tpu.region"() ({
      %run_scoped3A = tpu.sem_alloc : memref<!tpu.dma_semaphore, #tpu.memory_space<semaphore_mem>>
      tpu.enqueue_dma source(%arg3 : memref<16xf32, #tpu.memory_space<hbm>>) target(%arg9 : memref<16xf32, #tpu.memory_space<vmem>>) target_semaphore(%run_scoped3A : memref<!tpu.dma_semaphore, #tpu.memory_space<semaphore_mem>>)
      tpu.wait_dma2 semaphore(%run_scoped3A : memref<!tpu.dma_semaphore, #tpu.memory_space<semaphore_mem>>) src(%arg3 : memref<16xf32, #tpu.memory_space<hbm>>) dst(%arg9 : memref<16xf32, #tpu.memory_space<vmem>>)
      tpu.yield
    }) : () -> ()
    "tpu.region"() ({
      %run_scoped3A = tpu.sem_alloc : memref<!tpu.dma_semaphore, #tpu.memory_space<semaphore_mem>>
      tpu.enqueue_dma source(%arg4 : memref<16xf32, #tpu.memory_space<hbm>>) target(%arg10 : memref<16xf32, #tpu.memory_space<vmem>>) target_semaphore(%run_scoped3A : memref<!tpu.dma_semaphore, #tpu.memory_space<semaphore_mem>>)
      tpu.wait_dma2 semaphore(%run_scoped3A : memref<!tpu.dma_semaphore, #tpu.memory_space<semaphore_mem>>) src(%arg4 : memref<16xf32, #tpu.memory_space<hbm>>) dst(%arg10 : memref<16xf32, #tpu.memory_space<vmem>>)
      tpu.yield
    }) : () -> ()
    "tpu.region"() ({
      %run_scoped3A = tpu.sem_alloc : memref<!tpu.dma_semaphore, #tpu.memory_space<semaphore_mem>>
      tpu.enqueue_dma source(%arg5 : memref<16xf32, #tpu.memory_space<hbm>>) target(%arg11 : memref<16xf32, #tpu.memory_space<vmem>>) target_semaphore(%run_scoped3A : memref<!tpu.dma_semaphore, #tpu.memory_space<semaphore_mem>>)
      tpu.wait_dma2 semaphore(%run_scoped3A : memref<!tpu.dma_semaphore, #tpu.memory_space<semaphore_mem>>) src(%arg5 : memref<16xf32, #tpu.memory_space<hbm>>) dst(%arg11 : memref<16xf32, #tpu.memory_space<vmem>>)
      tpu.yield
    }) : () -> ()
    %get3A = arith.constant 0 : index
    %get3A_32 = tpu.vector_load %arg9[%get3A] {strides = array<i32>} : memref<16xf32, #tpu.memory_space<vmem>>, vector<16xf32>,
    %get3A_33 = arith.constant 0 : index
    %get3A_34 = tpu.vector_load %arg10[%get3A_33] {strides = array<i32>} : memref<16xf32, #tpu.memory_space<vmem>>, vector<16xf32>,
    %get3A_35 = arith.constant 0 : index
    %get3A_36 = tpu.vector_load %arg11[%get3A_35] {strides = array<i32>} : memref<16xf32, #tpu.memory_space<vmem>>, vector<16xf32>,
    %broadcast_in_dim3A = arith.constant 0.000000e+00 : f32
    %broadcast_in_dim3A_37 = vector.broadcast %broadcast_in_dim3A : f32 to vector<16xf32>
    %parallel_loop3A = arith.constant 0 : i32
    %parallel_loop3A_38 = arith.constant 528 : i32
    %parallel_loop3A_39 = arith.constant 1 : i32
    scf.for %parallel_loop3A_48 = %parallel_loop3A to %parallel_loop3A_38 step %parallel_loop3A_39  : i32 {
      %parallel_loop3A_49 = arith.constant 16 : i32
      %parallel_loop3A_50 = arith.muli %parallel_loop3A_48, %parallel_loop3A_49 : i32
      %parallel_loop3A_51 = arith.index_cast %parallel_loop3A_50 : i32 to index
      %parallel_loop3A_52 = tpu.vector_load %arg8[%parallel_loop3A_51] {strides = array<i32>} : memref<8448xf32, #tpu.memory_space<vmem>>, vector<16xf32>,
      tpu.vector_store %arg8[%parallel_loop3A_51], %broadcast_in_dim3A_37 {strides = array<i32>} : memref<8448xf32, #tpu.memory_space<vmem>>, vector<16xf32>,
    } {sc.loop_unroll_factor = 8 : i64, sc.parallel_access}
    %broadcast_in_dim3A_40 = arith.constant 1.000000e+00 : f32
    %broadcast_in_dim3A_41 = vector.broadcast %broadcast_in_dim3A_40 : f32 to vector<16xf32>
    %iota3A = tpu.iota {dimensions = array<i32: 0>} : vector<16xi32>
    %scan3A = arith.constant 0 : i32
    %scan3A_42 = arith.constant 0 : i32
    %scan3A_43 = arith.constant 16 : i32
    %scan3A_44 = arith.addi %scan3A_42, %scan3A_43 : i32
    %scan3A_45 = arith.constant 1 : i32
    %scan3A_46 = scf.for %scan3A_48 = %scan3A_42 to %scan3A_44 step %scan3A_45 iter_args(%scan3A_49 = %scan3A) -> (i32)  : i32 {
      %mul3A_50 = arith.constant 2 : i32
      %mul3A_51 = arith.muli %scan3A_48, %mul3A_50 : i32
      %add3A_52 = arith.constant 0 : i32
      %add3A_53 = arith.addi %mul3A_51, %add3A_52 : i32
      %dma_wait3A = arith.constant 0 : i32
      %dma_wait3A_54 = arith.constant 0 : i32
      %dma_wait3A_55 = arith.constant 0 : i32
      %dma_wait3A_56 = tpu.memref_slice %arg7[%dma_wait3A, %dma_wait3A_54, %dma_wait3A_55] : memref<2x128x256xf32, #tpu.memory_space<vmem>> -> memref<1x128x256xf32, #tpu.memory_space<vmem>>
      %dma_wait3A_57 = tpu.memref_squeeze %dma_wait3A_56 : memref<1x128x256xf32, #tpu.memory_space<vmem>> -> memref<128x256xf32, #tpu.memory_space<vmem>>
      %dma_wait3A_58 = arith.constant 0 : i32
      %dma_wait3A_59 = arith.constant 0 : i32
      %dma_wait3A_60 = tpu.memref_slice %arg2[%dma_wait3A_58, %dma_wait3A_59] : memref<131072x256xf32, #tpu.memory_space<hbm>> -> memref<128x256xf32, #tpu.memory_space<hbm>>
      %dma_wait3A_61 = arith.constant 0 : i32
      %dma_wait3A_62 = arith.constant 0 : i32
      %dma_wait3A_63 = tpu.memref_slice %arg7[%dma_wait3A, %dma_wait3A_61, %dma_wait3A_62] : memref<2x128x256xf32, #tpu.memory_space<vmem>> -> memref<1x128x256xf32, #tpu.memory_space<vmem>>
      %dma_wait3A_64 = tpu.memref_squeeze %dma_wait3A_63 : memref<1x128x256xf32, #tpu.memory_space<vmem>> -> memref<128x256xf32, #tpu.memory_space<vmem>>
      %dma_wait3A_65 = arith.constant 0 : i32
      %dma_wait3A_66 = arith.constant 0 : i32
      %dma_wait3A_67 = tpu.memref_slice %arg2[%dma_wait3A_65, %dma_wait3A_66] : memref<131072x256xf32, #tpu.memory_space<hbm>> -> memref<128x256xf32, #tpu.memory_space<hbm>>
      tpu.wait_dma2 semaphore(%arg12 : memref<!tpu.dma_semaphore, #tpu.memory_space<semaphore_mem>>) src(%dma_wait3A_67 : memref<128x256xf32, #tpu.memory_space<hbm>>) dst(%dma_wait3A_64 : memref<128x256xf32, #tpu.memory_space<vmem>>)
      %parallel_loop3A_68 = arith.constant 0 : i32
      %parallel_loop3A_69 = arith.constant 1024 : i32
      %parallel_loop3A_70 = arith.constant 1 : i32
      scf.for %parallel_loop3A_111 = %parallel_loop3A_68 to %parallel_loop3A_69 step %parallel_loop3A_70  : i32 {
        %parallel_loop3A_112 = arith.constant 8 : i32
        %parallel_loop3A_113 = arith.divsi %parallel_loop3A_111, %parallel_loop3A_112 : i32
        %parallel_loop3A_114 = arith.constant 0 : i32
        %parallel_loop3A_115 = arith.cmpi sgt, %parallel_loop3A_111, %parallel_loop3A_114 : i32
        %parallel_loop3A_116 = arith.extui %parallel_loop3A_115 : i1 to i32
        %parallel_loop3A_117 = arith.constant 0 : i32
        %parallel_loop3A_118 = arith.cmpi slt, %parallel_loop3A_111, %parallel_loop3A_117 : i32
        %parallel_loop3A_119 = arith.extui %parallel_loop3A_118 : i1 to i32
        %parallel_loop3A_120 = arith.subi %parallel_loop3A_116, %parallel_loop3A_119 : i32
        %parallel_loop3A_121 = arith.constant 0 : i32
        %parallel_loop3A_122 = arith.cmpi sgt, %parallel_loop3A_112, %parallel_loop3A_121 : i32
        %parallel_loop3A_123 = arith.extui %parallel_loop3A_122 : i1 to i32
        %parallel_loop3A_124 = arith.constant 0 : i32
        %parallel_loop3A_125 = arith.cmpi slt, %parallel_loop3A_112, %parallel_loop3A_124 : i32
        %parallel_loop3A_126 = arith.extui %parallel_loop3A_125 : i1 to i32
        %parallel_loop3A_127 = arith.subi %parallel_loop3A_123, %parallel_loop3A_126 : i32
        %parallel_loop3A_128 = arith.cmpi ne, %parallel_loop3A_120, %parallel_loop3A_127 : i32
        %parallel_loop3A_129 = arith.remsi %parallel_loop3A_111, %parallel_loop3A_112 : i32
        %parallel_loop3A_130 = arith.constant 0 : i32
        %parallel_loop3A_131 = arith.cmpi ne, %parallel_loop3A_129, %parallel_loop3A_130 : i32
        %parallel_loop3A_132 = arith.andi %parallel_loop3A_128, %parallel_loop3A_131 : i1
        %parallel_loop3A_133 = arith.constant 1 : i32
        %parallel_loop3A_134 = arith.subi %parallel_loop3A_113, %parallel_loop3A_133 : i32
        %parallel_loop3A_135 = arith.select %parallel_loop3A_132, %parallel_loop3A_134, %parallel_loop3A_113 : i32
        %parallel_loop3A_136 = arith.constant 7 : i32
        %parallel_loop3A_137 = arith.andi %parallel_loop3A_111, %parallel_loop3A_136 : i32
        %parallel_loop3A_138 = arith.constant 16 : i32
        %parallel_loop3A_139 = arith.muli %parallel_loop3A_137, %parallel_loop3A_138 : i32
        %parallel_loop3A_140 = arith.constant 0 : i32
        %parallel_loop3A_141 = arith.addi %parallel_loop3A_139, %parallel_loop3A_140 : i32
        %parallel_loop3A_142 = arith.constant 0 : i32
        %parallel_loop3A_143 = arith.index_cast %parallel_loop3A_142 : i32 to index
        %parallel_loop3A_144 = arith.index_cast %parallel_loop3A_135 : i32 to index
        %parallel_loop3A_145 = arith.index_cast %parallel_loop3A_141 : i32 to index
        %parallel_loop3A_146 = tpu.vector_load %arg7[%parallel_loop3A_143, %parallel_loop3A_144, %parallel_loop3A_145] {strides = array<i32>} : memref<2x128x256xf32, #tpu.memory_space<vmem>>, vector<16xf32>,
        %parallel_loop3A_147 = arith.mulf %parallel_loop3A_146, %get3A_32 : vector<16xf32>
        %parallel_loop3A_148 = arith.addf %parallel_loop3A_147, %get3A_34 : vector<16xf32>
        %parallel_loop3A_149 = arith.fptosi %parallel_loop3A_148 : vector<16xf32> to vector<16xi32>
        %parallel_loop3A_150 = arith.constant -256 : i32
        %parallel_loop3A_151 = vector.broadcast %parallel_loop3A_150 : i32 to vector<16xi32>
        %parallel_loop3A_152 = arith.andi %parallel_loop3A_149, %parallel_loop3A_151 : vector<16xi32>
        %parallel_loop3A_153 = vector.broadcast %parallel_loop3A_141 : i32 to vector<16xi32>
        %parallel_loop3A_154 = arith.addi %parallel_loop3A_153, %iota3A : vector<16xi32>
        %parallel_loop3A_155 = arith.addi %parallel_loop3A_152, %parallel_loop3A_154 : vector<16xi32>
        %parallel_loop3A_156 = arith.cmpf olt, %parallel_loop3A_146, %get3A_36 : vector<16xf32>
        tpu.vector_store_idx %arg8[%parallel_loop3A_155], %broadcast_in_dim3A_41 masked %parallel_loop3A_156 {add = true} : memref<8448xf32, #tpu.memory_space<vmem>>[vector<16xi32>], vector<16xf32>, vector<16xi1>
      } {sc.loop_unroll_factor = 8 : i64, sc.parallel_access}
      %parallel_loop3A_71 = arith.constant 0 : i32
      %parallel_loop3A_72 = arith.constant 1024 : i32
      %parallel_loop3A_73 = arith.constant 1 : i32
      scf.for %parallel_loop3A_111 = %parallel_loop3A_71 to %parallel_loop3A_72 step %parallel_loop3A_73  : i32 {
        %parallel_loop3A_112 = arith.constant 8 : i32
        %parallel_loop3A_113 = arith.divsi %parallel_loop3A_111, %parallel_loop3A_112 : i32
        %parallel_loop3A_114 = arith.constant 0 : i32
        %parallel_loop3A_115 = arith.cmpi sgt, %parallel_loop3A_111, %parallel_loop3A_114 : i32
        %parallel_loop3A_116 = arith.extui %parallel_loop3A_115 : i1 to i32
        %parallel_loop3A_117 = arith.constant 0 : i32
        %parallel_loop3A_118 = arith.cmpi slt, %parallel_loop3A_111, %parallel_loop3A_117 : i32
        %parallel_loop3A_119 = arith.extui %parallel_loop3A_118 : i1 to i32
        %parallel_loop3A_120 = arith.subi %parallel_loop3A_116, %parallel_loop3A_119 : i32
        %parallel_loop3A_121 = arith.constant 0 : i32
        %parallel_loop3A_122 = arith.cmpi sgt, %parallel_loop3A_112, %parallel_loop3A_121 : i32
        %parallel_loop3A_123 = arith.extui %parallel_loop3A_122 : i1 to i32
        %parallel_loop3A_124 = arith.constant 0 : i32
        %parallel_loop3A_125 = arith.cmpi slt, %parallel_loop3A_112, %parallel_loop3A_124 : i32
        %parallel_loop3A_126 = arith.extui %parallel_loop3A_125 : i1 to i32
        %parallel_loop3A_127 = arith.subi %parallel_loop3A_123, %parallel_loop3A_126 : i32
        %parallel_loop3A_128 = arith.cmpi ne, %parallel_loop3A_120, %parallel_loop3A_127 : i32
        %parallel_loop3A_129 = arith.remsi %parallel_loop3A_111, %parallel_loop3A_112 : i32
        %parallel_loop3A_130 = arith.constant 0 : i32
        %parallel_loop3A_131 = arith.cmpi ne, %parallel_loop3A_129, %parallel_loop3A_130 : i32
        %parallel_loop3A_132 = arith.andi %parallel_loop3A_128, %parallel_loop3A_131 : i1
        %parallel_loop3A_133 = arith.constant 1 : i32
        %parallel_loop3A_134 = arith.subi %parallel_loop3A_113, %parallel_loop3A_133 : i32
        %parallel_loop3A_135 = arith.select %parallel_loop3A_132, %parallel_loop3A_134, %parallel_loop3A_113 : i32
        %parallel_loop3A_136 = arith.constant 7 : i32
        %parallel_loop3A_137 = arith.andi %parallel_loop3A_111, %parallel_loop3A_136 : i32
        %parallel_loop3A_138 = arith.constant 16 : i32
        %parallel_loop3A_139 = arith.muli %parallel_loop3A_137, %parallel_loop3A_138 : i32
        %parallel_loop3A_140 = arith.constant 128 : i32
        %parallel_loop3A_141 = arith.addi %parallel_loop3A_139, %parallel_loop3A_140 : i32
        %parallel_loop3A_142 = arith.constant 0 : i32
        %parallel_loop3A_143 = arith.index_cast %parallel_loop3A_142 : i32 to index
        %parallel_loop3A_144 = arith.index_cast %parallel_loop3A_135 : i32 to index
        %parallel_loop3A_145 = arith.index_cast %parallel_loop3A_141 : i32 to index
        %parallel_loop3A_146 = tpu.vector_load %arg7[%parallel_loop3A_143, %parallel_loop3A_144, %parallel_loop3A_145] {strides = array<i32>} : memref<2x128x256xf32, #tpu.memory_space<vmem>>, vector<16xf32>,
        %parallel_loop3A_147 = arith.mulf %parallel_loop3A_146, %get3A_32 : vector<16xf32>
        %parallel_loop3A_148 = arith.addf %parallel_loop3A_147, %get3A_34 : vector<16xf32>
        %parallel_loop3A_149 = arith.fptosi %parallel_loop3A_148 : vector<16xf32> to vector<16xi32>
        %parallel_loop3A_150 = arith.constant -256 : i32
        %parallel_loop3A_151 = vector.broadcast %parallel_loop3A_150 : i32 to vector<16xi32>
        %parallel_loop3A_152 = arith.andi %parallel_loop3A_149, %parallel_loop3A_151 : vector<16xi32>
        %parallel_loop3A_153 = vector.broadcast %parallel_loop3A_141 : i32 to vector<16xi32>
        %parallel_loop3A_154 = arith.addi %parallel_loop3A_153, %iota3A : vector<16xi32>
        %parallel_loop3A_155 = arith.addi %parallel_loop3A_152, %parallel_loop3A_154 : vector<16xi32>
        %parallel_loop3A_156 = arith.cmpf olt, %parallel_loop3A_146, %get3A_36 : vector<16xf32>
        tpu.vector_store_idx %arg8[%parallel_loop3A_155], %broadcast_in_dim3A_41 masked %parallel_loop3A_156 {add = true} : memref<8448xf32, #tpu.memory_space<vmem>>[vector<16xi32>], vector<16xf32>, vector<16xi1>
      } {sc.loop_unroll_factor = 8 : i64, sc.parallel_access}
      %add3A_74 = arith.constant 2 : i32
      %add3A_75 = arith.addi %add3A_53, %add3A_74 : i32
      %lt3A = arith.constant 32 : i32
      %lt3A_76 = arith.cmpi slt, %add3A_75, %lt3A : i32
      %convert_element_type3A = arith.extui %lt3A_76 : i1 to i32
      %cond3A = arith.constant 0 : i32
      %cond3A_77 = arith.cmpi ne, %convert_element_type3A, %cond3A : i32
      scf.if %cond3A_77 {
        %add3A_111 = arith.constant 2 : i32
        %add3A_112 = arith.addi %add3A_53, %add3A_111 : i32
        %mul3A_113 = arith.constant 128 : i32
        %mul3A_114 = arith.muli %add3A_112, %mul3A_113 : i32
        %add3A_115 = arith.addi %mul3A_2, %mul3A_114 : i32
        %dma_start3A_116 = arith.constant 0 : i32
        %dma_start3A_117 = arith.constant 0 : i32
        %dma_start3A_118 = arith.constant 0 : i32
        %dma_start3A_119 = tpu.memref_slice %arg7[%dma_start3A_116, %dma_start3A_117, %dma_start3A_118] : memref<2x128x256xf32, #tpu.memory_space<vmem>> -> memref<1x128x256xf32, #tpu.memory_space<vmem>>
        %dma_start3A_120 = tpu.memref_squeeze %dma_start3A_119 : memref<1x128x256xf32, #tpu.memory_space<vmem>> -> memref<128x256xf32, #tpu.memory_space<vmem>>
        %dma_start3A_121 = arith.constant 0 : i32
        %dma_start3A_122 = tpu.memref_slice %arg2[%add3A_115, %dma_start3A_121] : memref<131072x256xf32, #tpu.memory_space<hbm>> -> memref<128x256xf32, #tpu.memory_space<hbm>>
        %dma_start3A_123 = arith.constant 0 : i32
        %dma_start3A_124 = arith.constant 0 : i32
        %dma_start3A_125 = tpu.memref_slice %arg7[%dma_start3A_116, %dma_start3A_123, %dma_start3A_124] : memref<2x128x256xf32, #tpu.memory_space<vmem>> -> memref<1x128x256xf32, #tpu.memory_space<vmem>>
        %dma_start3A_126 = tpu.memref_squeeze %dma_start3A_125 : memref<1x128x256xf32, #tpu.memory_space<vmem>> -> memref<128x256xf32, #tpu.memory_space<vmem>>
        %dma_start3A_127 = arith.constant 0 : i32
        %dma_start3A_128 = tpu.memref_slice %arg2[%add3A_115, %dma_start3A_127] : memref<131072x256xf32, #tpu.memory_space<hbm>> -> memref<128x256xf32, #tpu.memory_space<hbm>>
        tpu.enqueue_dma source(%dma_start3A_128 : memref<128x256xf32, #tpu.memory_space<hbm>>) target(%dma_start3A_126 : memref<128x256xf32, #tpu.memory_space<vmem>>) target_semaphore(%arg12 : memref<!tpu.dma_semaphore, #tpu.memory_space<semaphore_mem>>)
      } else {
      }
      %mul3A_78 = arith.constant 2 : i32
      %mul3A_79 = arith.muli %scan3A_48, %mul3A_78 : i32
      %add3A_80 = arith.constant 1 : i32
      %add3A_81 = arith.addi %mul3A_79, %add3A_80 : i32
      %dma_wait3A_82 = arith.constant 1 : i32
      %dma_wait3A_83 = arith.constant 0 : i32
      %dma_wait3A_84 = arith.constant 0 : i32
      %dma_wait3A_85 = tpu.memref_slice %arg7[%dma_wait3A_82, %dma_wait3A_83, %dma_wait3A_84] : memref<2x128x256xf32, #tpu.memory_space<vmem>> -> memref<1x128x256xf32, #tpu.memory_space<vmem>>
      %dma_wait3A_86 = tpu.memref_squeeze %dma_wait3A_85 : memref<1x128x256xf32, #tpu.memory_space<vmem>> -> memref<128x256xf32, #tpu.memory_space<vmem>>
      %dma_wait3A_87 = arith.constant 0 : i32
      %dma_wait3A_88 = arith.constant 0 : i32
      %dma_wait3A_89 = tpu.memref_slice %arg2[%dma_wait3A_87, %dma_wait3A_88] : memref<131072x256xf32, #tpu.memory_space<hbm>> -> memref<128x256xf32, #tpu.memory_space<hbm>>
      %dma_wait3A_90 = arith.constant 0 : i32
      %dma_wait3A_91 = arith.constant 0 : i32
      %dma_wait3A_92 = tpu.memref_slice %arg7[%dma_wait3A_82, %dma_wait3A_90, %dma_wait3A_91] : memref<2x128x256xf32, #tpu.memory_space<vmem>> -> memref<1x128x256xf32, #tpu.memory_space<vmem>>
      %dma_wait3A_93 = tpu.memref_squeeze %dma_wait3A_92 : memref<1x128x256xf32, #tpu.memory_space<vmem>> -> memref<128x256xf32, #tpu.memory_space<vmem>>
      %dma_wait3A_94 = arith.constant 0 : i32
      %dma_wait3A_95 = arith.constant 0 : i32
      %dma_wait3A_96 = tpu.memref_slice %arg2[%dma_wait3A_94, %dma_wait3A_95] : memref<131072x256xf32, #tpu.memory_space<hbm>> -> memref<128x256xf32, #tpu.memory_space<hbm>>
      tpu.wait_dma2 semaphore(%arg13 : memref<!tpu.dma_semaphore, #tpu.memory_space<semaphore_mem>>) src(%dma_wait3A_96 : memref<128x256xf32, #tpu.memory_space<hbm>>) dst(%dma_wait3A_93 : memref<128x256xf32, #tpu.memory_space<vmem>>)
      %parallel_loop3A_97 = arith.constant 0 : i32
      %parallel_loop3A_98 = arith.constant 1024 : i32
      %parallel_loop3A_99 = arith.constant 1 : i32
      scf.for %parallel_loop3A_111 = %parallel_loop3A_97 to %parallel_loop3A_98 step %parallel_loop3A_99  : i32 {
        %parallel_loop3A_112 = arith.constant 8 : i32
        %parallel_loop3A_113 = arith.divsi %parallel_loop3A_111, %parallel_loop3A_112 : i32
        %parallel_loop3A_114 = arith.constant 0 : i32
        %parallel_loop3A_115 = arith.cmpi sgt, %parallel_loop3A_111, %parallel_loop3A_114 : i32
        %parallel_loop3A_116 = arith.extui %parallel_loop3A_115 : i1 to i32
        %parallel_loop3A_117 = arith.constant 0 : i32
        %parallel_loop3A_118 = arith.cmpi slt, %parallel_loop3A_111, %parallel_loop3A_117 : i32
        %parallel_loop3A_119 = arith.extui %parallel_loop3A_118 : i1 to i32
        %parallel_loop3A_120 = arith.subi %parallel_loop3A_116, %parallel_loop3A_119 : i32
        %parallel_loop3A_121 = arith.constant 0 : i32
        %parallel_loop3A_122 = arith.cmpi sgt, %parallel_loop3A_112, %parallel_loop3A_121 : i32
        %parallel_loop3A_123 = arith.extui %parallel_loop3A_122 : i1 to i32
        %parallel_loop3A_124 = arith.constant 0 : i32
        %parallel_loop3A_125 = arith.cmpi slt, %parallel_loop3A_112, %parallel_loop3A_124 : i32
        %parallel_loop3A_126 = arith.extui %parallel_loop3A_125 : i1 to i32
        %parallel_loop3A_127 = arith.subi %parallel_loop3A_123, %parallel_loop3A_126 : i32
        %parallel_loop3A_128 = arith.cmpi ne, %parallel_loop3A_120, %parallel_loop3A_127 : i32
        %parallel_loop3A_129 = arith.remsi %parallel_loop3A_111, %parallel_loop3A_112 : i32
        %parallel_loop3A_130 = arith.constant 0 : i32
        %parallel_loop3A_131 = arith.cmpi ne, %parallel_loop3A_129, %parallel_loop3A_130 : i32
        %parallel_loop3A_132 = arith.andi %parallel_loop3A_128, %parallel_loop3A_131 : i1
        %parallel_loop3A_133 = arith.constant 1 : i32
        %parallel_loop3A_134 = arith.subi %parallel_loop3A_113, %parallel_loop3A_133 : i32
        %parallel_loop3A_135 = arith.select %parallel_loop3A_132, %parallel_loop3A_134, %parallel_loop3A_113 : i32
        %parallel_loop3A_136 = arith.constant 7 : i32
        %parallel_loop3A_137 = arith.andi %parallel_loop3A_111, %parallel_loop3A_136 : i32
        %parallel_loop3A_138 = arith.constant 16 : i32
        %parallel_loop3A_139 = arith.muli %parallel_loop3A_137, %parallel_loop3A_138 : i32
        %parallel_loop3A_140 = arith.constant 0 : i32
        %parallel_loop3A_141 = arith.addi %parallel_loop3A_139, %parallel_loop3A_140 : i32
        %parallel_loop3A_142 = arith.constant 1 : i32
        %parallel_loop3A_143 = arith.index_cast %parallel_loop3A_142 : i32 to index
        %parallel_loop3A_144 = arith.index_cast %parallel_loop3A_135 : i32 to index
        %parallel_loop3A_145 = arith.index_cast %parallel_loop3A_141 : i32 to index
        %parallel_loop3A_146 = tpu.vector_load %arg7[%parallel_loop3A_143, %parallel_loop3A_144, %parallel_loop3A_145] {strides = array<i32>} : memref<2x128x256xf32, #tpu.memory_space<vmem>>, vector<16xf32>,
        %parallel_loop3A_147 = arith.mulf %parallel_loop3A_146, %get3A_32 : vector<16xf32>
        %parallel_loop3A_148 = arith.addf %parallel_loop3A_147, %get3A_34 : vector<16xf32>
        %parallel_loop3A_149 = arith.fptosi %parallel_loop3A_148 : vector<16xf32> to vector<16xi32>
        %parallel_loop3A_150 = arith.constant -256 : i32
        %parallel_loop3A_151 = vector.broadcast %parallel_loop3A_150 : i32 to vector<16xi32>
        %parallel_loop3A_152 = arith.andi %parallel_loop3A_149, %parallel_loop3A_151 : vector<16xi32>
        %parallel_loop3A_153 = vector.broadcast %parallel_loop3A_141 : i32 to vector<16xi32>
        %parallel_loop3A_154 = arith.addi %parallel_loop3A_153, %iota3A : vector<16xi32>
        %parallel_loop3A_155 = arith.addi %parallel_loop3A_152, %parallel_loop3A_154 : vector<16xi32>
        %parallel_loop3A_156 = arith.cmpf olt, %parallel_loop3A_146, %get3A_36 : vector<16xf32>
        tpu.vector_store_idx %arg8[%parallel_loop3A_155], %broadcast_in_dim3A_41 masked %parallel_loop3A_156 {add = true} : memref<8448xf32, #tpu.memory_space<vmem>>[vector<16xi32>], vector<16xf32>, vector<16xi1>
      } {sc.loop_unroll_factor = 8 : i64, sc.parallel_access}
      %parallel_loop3A_100 = arith.constant 0 : i32
      %parallel_loop3A_101 = arith.constant 1024 : i32
      %parallel_loop3A_102 = arith.constant 1 : i32
      scf.for %parallel_loop3A_111 = %parallel_loop3A_100 to %parallel_loop3A_101 step %parallel_loop3A_102  : i32 {
        %parallel_loop3A_112 = arith.constant 8 : i32
        %parallel_loop3A_113 = arith.divsi %parallel_loop3A_111, %parallel_loop3A_112 : i32
        %parallel_loop3A_114 = arith.constant 0 : i32
        %parallel_loop3A_115 = arith.cmpi sgt, %parallel_loop3A_111, %parallel_loop3A_114 : i32
        %parallel_loop3A_116 = arith.extui %parallel_loop3A_115 : i1 to i32
        %parallel_loop3A_117 = arith.constant 0 : i32
        %parallel_loop3A_118 = arith.cmpi slt, %parallel_loop3A_111, %parallel_loop3A_117 : i32
        %parallel_loop3A_119 = arith.extui %parallel_loop3A_118 : i1 to i32
        %parallel_loop3A_120 = arith.subi %parallel_loop3A_116, %parallel_loop3A_119 : i32
        %parallel_loop3A_121 = arith.constant 0 : i32
        %parallel_loop3A_122 = arith.cmpi sgt, %parallel_loop3A_112, %parallel_loop3A_121 : i32
        %parallel_loop3A_123 = arith.extui %parallel_loop3A_122 : i1 to i32
        %parallel_loop3A_124 = arith.constant 0 : i32
        %parallel_loop3A_125 = arith.cmpi slt, %parallel_loop3A_112, %parallel_loop3A_124 : i32
        %parallel_loop3A_126 = arith.extui %parallel_loop3A_125 : i1 to i32
        %parallel_loop3A_127 = arith.subi %parallel_loop3A_123, %parallel_loop3A_126 : i32
        %parallel_loop3A_128 = arith.cmpi ne, %parallel_loop3A_120, %parallel_loop3A_127 : i32
        %parallel_loop3A_129 = arith.remsi %parallel_loop3A_111, %parallel_loop3A_112 : i32
        %parallel_loop3A_130 = arith.constant 0 : i32
        %parallel_loop3A_131 = arith.cmpi ne, %parallel_loop3A_129, %parallel_loop3A_130 : i32
        %parallel_loop3A_132 = arith.andi %parallel_loop3A_128, %parallel_loop3A_131 : i1
        %parallel_loop3A_133 = arith.constant 1 : i32
        %parallel_loop3A_134 = arith.subi %parallel_loop3A_113, %parallel_loop3A_133 : i32
        %parallel_loop3A_135 = arith.select %parallel_loop3A_132, %parallel_loop3A_134, %parallel_loop3A_113 : i32
        %parallel_loop3A_136 = arith.constant 7 : i32
        %parallel_loop3A_137 = arith.andi %parallel_loop3A_111, %parallel_loop3A_136 : i32
        %parallel_loop3A_138 = arith.constant 16 : i32
        %parallel_loop3A_139 = arith.muli %parallel_loop3A_137, %parallel_loop3A_138 : i32
        %parallel_loop3A_140 = arith.constant 128 : i32
        %parallel_loop3A_141 = arith.addi %parallel_loop3A_139, %parallel_loop3A_140 : i32
        %parallel_loop3A_142 = arith.constant 1 : i32
        %parallel_loop3A_143 = arith.index_cast %parallel_loop3A_142 : i32 to index
        %parallel_loop3A_144 = arith.index_cast %parallel_loop3A_135 : i32 to index
        %parallel_loop3A_145 = arith.index_cast %parallel_loop3A_141 : i32 to index
        %parallel_loop3A_146 = tpu.vector_load %arg7[%parallel_loop3A_143, %parallel_loop3A_144, %parallel_loop3A_145] {strides = array<i32>} : memref<2x128x256xf32, #tpu.memory_space<vmem>>, vector<16xf32>,
        %parallel_loop3A_147 = arith.mulf %parallel_loop3A_146, %get3A_32 : vector<16xf32>
        %parallel_loop3A_148 = arith.addf %parallel_loop3A_147, %get3A_34 : vector<16xf32>
        %parallel_loop3A_149 = arith.fptosi %parallel_loop3A_148 : vector<16xf32> to vector<16xi32>
        %parallel_loop3A_150 = arith.constant -256 : i32
        %parallel_loop3A_151 = vector.broadcast %parallel_loop3A_150 : i32 to vector<16xi32>
        %parallel_loop3A_152 = arith.andi %parallel_loop3A_149, %parallel_loop3A_151 : vector<16xi32>
        %parallel_loop3A_153 = vector.broadcast %parallel_loop3A_141 : i32 to vector<16xi32>
        %parallel_loop3A_154 = arith.addi %parallel_loop3A_153, %iota3A : vector<16xi32>
        %parallel_loop3A_155 = arith.addi %parallel_loop3A_152, %parallel_loop3A_154 : vector<16xi32>
        %parallel_loop3A_156 = arith.cmpf olt, %parallel_loop3A_146, %get3A_36 : vector<16xf32>
        tpu.vector_store_idx %arg8[%parallel_loop3A_155], %broadcast_in_dim3A_41 masked %parallel_loop3A_156 {add = true} : memref<8448xf32, #tpu.memory_space<vmem>>[vector<16xi32>], vector<16xf32>, vector<16xi1>
      } {sc.loop_unroll_factor = 8 : i64, sc.parallel_access}
      %add3A_103 = arith.constant 2 : i32
      %add3A_104 = arith.addi %add3A_81, %add3A_103 : i32
      %lt3A_105 = arith.constant 32 : i32
      %lt3A_106 = arith.cmpi slt, %add3A_104, %lt3A_105 : i32
      %convert_element_type3A_107 = arith.extui %lt3A_106 : i1 to i32
      %cond3A_108 = arith.constant 0 : i32
      %cond3A_109 = arith.cmpi ne, %convert_element_type3A_107, %cond3A_108 : i32
      scf.if %cond3A_109 {
        %add3A_111 = arith.constant 2 : i32
        %add3A_112 = arith.addi %add3A_81, %add3A_111 : i32
        %mul3A_113 = arith.constant 128 : i32
        %mul3A_114 = arith.muli %add3A_112, %mul3A_113 : i32
        %add3A_115 = arith.addi %mul3A_2, %mul3A_114 : i32
        %dma_start3A_116 = arith.constant 1 : i32
        %dma_start3A_117 = arith.constant 0 : i32
        %dma_start3A_118 = arith.constant 0 : i32
        %dma_start3A_119 = tpu.memref_slice %arg7[%dma_start3A_116, %dma_start3A_117, %dma_start3A_118] : memref<2x128x256xf32, #tpu.memory_space<vmem>> -> memref<1x128x256xf32, #tpu.memory_space<vmem>>
        %dma_start3A_120 = tpu.memref_squeeze %dma_start3A_119 : memref<1x128x256xf32, #tpu.memory_space<vmem>> -> memref<128x256xf32, #tpu.memory_space<vmem>>
        %dma_start3A_121 = arith.constant 0 : i32
        %dma_start3A_122 = tpu.memref_slice %arg2[%add3A_115, %dma_start3A_121] : memref<131072x256xf32, #tpu.memory_space<hbm>> -> memref<128x256xf32, #tpu.memory_space<hbm>>
        %dma_start3A_123 = arith.constant 0 : i32
        %dma_start3A_124 = arith.constant 0 : i32
        %dma_start3A_125 = tpu.memref_slice %arg7[%dma_start3A_116, %dma_start3A_123, %dma_start3A_124] : memref<2x128x256xf32, #tpu.memory_space<vmem>> -> memref<1x128x256xf32, #tpu.memory_space<vmem>>
        %dma_start3A_126 = tpu.memref_squeeze %dma_start3A_125 : memref<1x128x256xf32, #tpu.memory_space<vmem>> -> memref<128x256xf32, #tpu.memory_space<vmem>>
        %dma_start3A_127 = arith.constant 0 : i32
        %dma_start3A_128 = tpu.memref_slice %arg2[%add3A_115, %dma_start3A_127] : memref<131072x256xf32, #tpu.memory_space<hbm>> -> memref<128x256xf32, #tpu.memory_space<hbm>>
        tpu.enqueue_dma source(%dma_start3A_128 : memref<128x256xf32, #tpu.memory_space<hbm>>) target(%dma_start3A_126 : memref<128x256xf32, #tpu.memory_space<vmem>>) target_semaphore(%arg13 : memref<!tpu.dma_semaphore, #tpu.memory_space<semaphore_mem>>)
      } else {
      }
      %scan3A_110 = arith.constant 0 : i32
      scf.yield %scan3A_110 : i32
    }
    %scan3A_47 = arith.constant 16 : i32
    "tpu.region"() ({
      %run_scoped3A = tpu.sem_alloc : memref<!tpu.dma_semaphore, #tpu.memory_space<semaphore_mem>>
      %dma_start3A_48 = arith.constant 0 : i32
      %dma_start3A_49 = tpu.memref_slice %arg8[%dma_start3A_48] : memref<8448xf32, #tpu.memory_space<vmem>> -> memref<8192xf32, #tpu.memory_space<vmem>>
      %dma_start3A_50 = arith.constant 0 : i32
      %dma_start3A_51 = tpu.memref_slice %arg6[%add3A, %dma_start3A_50] : memref<32x8192xf32, #tpu.memory_space<hbm>> -> memref<1x8192xf32, #tpu.memory_space<hbm>>
      %dma_start3A_52 = tpu.memref_squeeze %dma_start3A_51 : memref<1x8192xf32, #tpu.memory_space<hbm>> -> memref<8192xf32, #tpu.memory_space<hbm>>
      %dma_start3A_53 = arith.constant 0 : i32
      %dma_start3A_54 = tpu.memref_slice %arg6[%add3A, %dma_start3A_53] : memref<32x8192xf32, #tpu.memory_space<hbm>> -> memref<1x8192xf32, #tpu.memory_space<hbm>>
      %dma_start3A_55 = tpu.memref_squeeze %dma_start3A_54 : memref<1x8192xf32, #tpu.memory_space<hbm>> -> memref<8192xf32, #tpu.memory_space<hbm>>
      %dma_start3A_56 = arith.constant 0 : i32
      %dma_start3A_57 = tpu.memref_slice %arg8[%dma_start3A_56] : memref<8448xf32, #tpu.memory_space<vmem>> -> memref<8192xf32, #tpu.memory_space<vmem>>
      tpu.enqueue_dma source(%dma_start3A_57 : memref<8192xf32, #tpu.memory_space<vmem>>) target(%dma_start3A_55 : memref<8192xf32, #tpu.memory_space<hbm>>) target_semaphore(%run_scoped3A : memref<!tpu.dma_semaphore, #tpu.memory_space<semaphore_mem>>)
      %dma_wait3A = arith.constant 0 : i32
      %dma_wait3A_58 = tpu.memref_slice %arg8[%dma_wait3A] : memref<8448xf32, #tpu.memory_space<vmem>> -> memref<8192xf32, #tpu.memory_space<vmem>>
      %dma_wait3A_59 = arith.constant 0 : i32
      %dma_wait3A_60 = tpu.memref_slice %arg6[%add3A, %dma_wait3A_59] : memref<32x8192xf32, #tpu.memory_space<hbm>> -> memref<1x8192xf32, #tpu.memory_space<hbm>>
      %dma_wait3A_61 = tpu.memref_squeeze %dma_wait3A_60 : memref<1x8192xf32, #tpu.memory_space<hbm>> -> memref<8192xf32, #tpu.memory_space<hbm>>
      %dma_wait3A_62 = arith.constant 0 : i32
      %dma_wait3A_63 = tpu.memref_slice %arg6[%add3A, %dma_wait3A_62] : memref<32x8192xf32, #tpu.memory_space<hbm>> -> memref<1x8192xf32, #tpu.memory_space<hbm>>
      %dma_wait3A_64 = tpu.memref_squeeze %dma_wait3A_63 : memref<1x8192xf32, #tpu.memory_space<hbm>> -> memref<8192xf32, #tpu.memory_space<hbm>>
      %dma_wait3A_65 = arith.constant 0 : i32
      %dma_wait3A_66 = tpu.memref_slice %arg8[%dma_wait3A_65] : memref<8448xf32, #tpu.memory_space<vmem>> -> memref<8192xf32, #tpu.memory_space<vmem>>
      tpu.wait_dma2 semaphore(%run_scoped3A : memref<!tpu.dma_semaphore, #tpu.memory_space<semaphore_mem>>) src(%dma_wait3A_66 : memref<8192xf32, #tpu.memory_space<vmem>>) dst(%dma_wait3A_64 : memref<8192xf32, #tpu.memory_space<hbm>>)
      tpu.yield
    }) : () -> ()
    return
  }
}

module attributes {stable_mosaic.version = 14 : i64} {
  func.func @_minmax_body(%arg0: i32, %arg1: memref<8192x256xf32, #tpu.memory_space<vmem>>, %arg2: memref<1x128xf32, #tpu.memory_space<vmem>>, %arg3: memref<1x128xf32, #tpu.memory_space<vmem>>, %arg4: memref<1x128xf32, #tpu.memory_space<vmem>>, %arg5: memref<8x256xf32, #tpu.memory_space<vmem>>, %arg6: memref<8x256xf32, #tpu.memory_space<vmem>>) attributes {dimension_semantics = [#tpu.dimension_semantics<arbitrary>], iteration_bounds = array<i64: 16>, scalar_prefetch = 0 : i64, scratch_operands = 2 : i64, tpu.core_type = #tpu.core_type<tc>, window_params = [{transform_indices = @transform_0, window_bounds = array<i64: 8192, 256>}, {pipeline_mode = #tpu.pipeline_mode<synchronous>, transform_indices = @transform_1, window_bounds = array<i64: 1, 128>}, {pipeline_mode = #tpu.pipeline_mode<synchronous>, transform_indices = @transform_2, window_bounds = array<i64: 1, 128>}, {pipeline_mode = #tpu.pipeline_mode<synchronous>, transform_indices = @transform_3, window_bounds = array<i64: 1, 128>}]} {
    %get3A = arith.constant 0 : index
    %get3A_0 = arith.constant 0 : index
    %get3A_1 = vector.load %arg1[%get3A, %get3A_0] : memref<8192x256xf32, #tpu.memory_space<vmem>>, vector<8192x256xf32>
    %reshape3A = vector.shape_cast %get3A_1 : vector<8192x256xf32> to vector<1024x8x256xf32>
    %reduce_min3A = arith.constant dense<0x7F800000> : vector<8x256xf32>
    %reduce_min3A_2 = vector.multi_reduction <minimumf>, %reshape3A, %reduce_min3A [0] : vector<1024x8x256xf32> to vector<8x256xf32>
    %reduce_max3A = arith.constant dense<0xFF800000> : vector<8x256xf32>
    %reduce_max3A_3 = vector.multi_reduction <maximumf>, %reshape3A, %reduce_max3A [0] : vector<1024x8x256xf32> to vector<8x256xf32>
    %eq3A = arith.constant 0 : i32
    %eq3A_4 = arith.cmpi eq, %arg0, %eq3A : i32
    %convert_element_type3A = arith.extui %eq3A_4 : i1 to i32
    %cond3A = arith.constant 0 : i32
    %cond3A_5 = arith.cmpi ne, %convert_element_type3A, %cond3A : i32
    scf.if %cond3A_5 {
      %swap3A = arith.constant 0 : index
      %swap3A_15 = arith.constant 0 : index
      %swap3A_16 = vector.load %arg5[%swap3A, %swap3A_15] : memref<8x256xf32, #tpu.memory_space<vmem>>, vector<8x256xf32>
      tpu.vector_store %arg5[%swap3A, %swap3A_15], %reduce_min3A_2 {strides = array<i32>} : memref<8x256xf32, #tpu.memory_space<vmem>>, vector<8x256xf32>,
      %swap3A_17 = arith.constant 0 : index
      %swap3A_18 = arith.constant 0 : index
      %swap3A_19 = vector.load %arg6[%swap3A_17, %swap3A_18] : memref<8x256xf32, #tpu.memory_space<vmem>>, vector<8x256xf32>
      tpu.vector_store %arg6[%swap3A_17, %swap3A_18], %reduce_max3A_3 {strides = array<i32>} : memref<8x256xf32, #tpu.memory_space<vmem>>, vector<8x256xf32>,
    } else {
    }
    %gt3A = arith.constant 0 : i32
    %gt3A_6 = arith.cmpi sgt, %arg0, %gt3A : i32
    %convert_element_type3A_7 = arith.extui %gt3A_6 : i1 to i32
    %cond3A_8 = arith.constant 0 : i32
    %cond3A_9 = arith.cmpi ne, %convert_element_type3A_7, %cond3A_8 : i32
    scf.if %cond3A_9 {
      %get3A_15 = arith.constant 0 : index
      %get3A_16 = arith.constant 0 : index
      %get3A_17 = vector.load %arg5[%get3A_15, %get3A_16] : memref<8x256xf32, #tpu.memory_space<vmem>>, vector<8x256xf32>
      %min3A = arith.minimumf %get3A_17, %reduce_min3A_2 : vector<8x256xf32>
      %swap3A = arith.constant 0 : index
      %swap3A_18 = arith.constant 0 : index
      %swap3A_19 = vector.load %arg5[%swap3A, %swap3A_18] : memref<8x256xf32, #tpu.memory_space<vmem>>, vector<8x256xf32>
      tpu.vector_store %arg5[%swap3A, %swap3A_18], %min3A {strides = array<i32>} : memref<8x256xf32, #tpu.memory_space<vmem>>, vector<8x256xf32>,
      %get3A_20 = arith.constant 0 : index
      %get3A_21 = arith.constant 0 : index
      %get3A_22 = vector.load %arg6[%get3A_20, %get3A_21] : memref<8x256xf32, #tpu.memory_space<vmem>>, vector<8x256xf32>
      %max3A = arith.maximumf %get3A_22, %reduce_max3A_3 : vector<8x256xf32>
      %swap3A_23 = arith.constant 0 : index
      %swap3A_24 = arith.constant 0 : index
      %swap3A_25 = vector.load %arg6[%swap3A_23, %swap3A_24] : memref<8x256xf32, #tpu.memory_space<vmem>>, vector<8x256xf32>
      tpu.vector_store %arg6[%swap3A_23, %swap3A_24], %max3A {strides = array<i32>} : memref<8x256xf32, #tpu.memory_space<vmem>>, vector<8x256xf32>,
    } else {
    }
    %eq3A_10 = arith.constant 15 : i32
    %eq3A_11 = arith.cmpi eq, %arg0, %eq3A_10 : i32
    %convert_element_type3A_12 = arith.extui %eq3A_11 : i1 to i32
    %cond3A_13 = arith.constant 0 : i32
    %cond3A_14 = arith.cmpi ne, %convert_element_type3A_12, %cond3A_13 : i32
    scf.if %cond3A_14 {
      %get3A_15 = arith.constant 0 : index
      %get3A_16 = arith.constant 0 : index
      %get3A_17 = vector.load %arg5[%get3A_15, %get3A_16] : memref<8x256xf32, #tpu.memory_space<vmem>>, vector<8x256xf32>
      %reduce_min3A_18 = vector.shape_cast %get3A_17 : vector<8x256xf32> to vector<1x8x256xf32>
      %reduce_min3A_19 = arith.constant dense<0x7F800000> : vector<1xf32>
      %reduce_min3A_20 = vector.multi_reduction <minimumf>, %reduce_min3A_18, %reduce_min3A_19 [1, 2] : vector<1x8x256xf32> to vector<1xf32>
      %reduce_min3A_21 = vector.shape_cast %reduce_min3A_20 : vector<1xf32> to vector<1x1x1xf32>
      %reduce_min3A_22 = vector.extract %reduce_min3A_21[0, 0, 0] : f32 from vector<1x1x1xf32>
      %get3A_23 = arith.constant 0 : index
      %get3A_24 = arith.constant 0 : index
      %get3A_25 = vector.load %arg6[%get3A_23, %get3A_24] : memref<8x256xf32, #tpu.memory_space<vmem>>, vector<8x256xf32>
      %reduce_max3A_26 = vector.shape_cast %get3A_25 : vector<8x256xf32> to vector<1x8x256xf32>
      %reduce_max3A_27 = arith.constant dense<0xFF800000> : vector<1xf32>
      %reduce_max3A_28 = vector.multi_reduction <maximumf>, %reduce_max3A_26, %reduce_max3A_27 [1, 2] : vector<1x8x256xf32> to vector<1xf32>
      %reduce_max3A_29 = vector.shape_cast %reduce_max3A_28 : vector<1xf32> to vector<1x1x1xf32>
      %reduce_max3A_30 = vector.extract %reduce_max3A_29[0, 0, 0] : f32 from vector<1x1x1xf32>
      %sub3A = arith.subf %reduce_max3A_30, %reduce_min3A_22 : f32
      %gt3A_31 = arith.constant 0.000000e+00 : f32
      %gt3A_32 = arith.cmpf ogt, %sub3A, %gt3A_31 : f32
      %div3A = arith.constant 3.200000e+01 : f32
      %div3A_33 = arith.divf %div3A, %sub3A : f32
      %jit3A = arith.constant 0.000000e+00 : f32
      %select_n3A = arith.select %gt3A_32, %div3A_33, %jit3A : f32
      %mul3A = arith.constant 2.560000e+02 : f32
      %mul3A_34 = arith.mulf %select_n3A, %mul3A : f32
      %neg3A = arith.constant 0.000000e+00 : f32
      %neg3A_35 = arith.subf %neg3A, %reduce_min3A_22 : f32
      %mul3A_36 = arith.mulf %neg3A_35, %mul3A_34 : f32
      %jit3A_37 = arith.constant 8.192000e+03 : f32
      %select_n3A_38 = arith.select %gt3A_32, %mul3A_36, %jit3A_37 : f32
      %broadcast_in_dim3A = vector.broadcast %mul3A_34 : f32 to vector<1x128xf32>
      %swap3A = arith.constant 0 : index
      %swap3A_39 = arith.constant 0 : index
      %swap3A_40 = vector.load %arg2[%swap3A, %swap3A_39] : memref<1x128xf32, #tpu.memory_space<vmem>>, vector<1x128xf32>
      tpu.vector_store %arg2[%swap3A, %swap3A_39], %broadcast_in_dim3A {strides = array<i32>} : memref<1x128xf32, #tpu.memory_space<vmem>>, vector<1x128xf32>,
      %broadcast_in_dim3A_41 = vector.broadcast %select_n3A_38 : f32 to vector<1x128xf32>
      %swap3A_42 = arith.constant 0 : index
      %swap3A_43 = arith.constant 0 : index
      %swap3A_44 = vector.load %arg3[%swap3A_42, %swap3A_43] : memref<1x128xf32, #tpu.memory_space<vmem>>, vector<1x128xf32>
      tpu.vector_store %arg3[%swap3A_42, %swap3A_43], %broadcast_in_dim3A_41 {strides = array<i32>} : memref<1x128xf32, #tpu.memory_space<vmem>>, vector<1x128xf32>,
      %broadcast_in_dim3A_45 = vector.broadcast %reduce_max3A_30 : f32 to vector<1x128xf32>
      %swap3A_46 = arith.constant 0 : index
      %swap3A_47 = arith.constant 0 : index
      %swap3A_48 = vector.load %arg4[%swap3A_46, %swap3A_47] : memref<1x128xf32, #tpu.memory_space<vmem>>, vector<1x128xf32>
      tpu.vector_store %arg4[%swap3A_46, %swap3A_47], %broadcast_in_dim3A_45 {strides = array<i32>} : memref<1x128xf32, #tpu.memory_space<vmem>>, vector<1x128xf32>,
    } else {
    }
    return
  }
  func.func @transform_0(%arg0: i32) -> (i32, i32) {
    %c0_i32 = arith.constant 0 : i32
    %c0_i32_0 = arith.constant 0 : i32
    return %arg0, %c0_i32 : i32, i32
  }
  func.func @transform_1(%arg0: i32) -> (i32, i32) {
    %c0_i32 = arith.constant 0 : i32
    %c0_i32_0 = arith.constant 0 : i32
    %c0_i32_1 = arith.constant 0 : i32
    return %c0_i32, %c0_i32_0 : i32, i32
  }
  func.func @transform_2(%arg0: i32) -> (i32, i32) {
    %c0_i32 = arith.constant 0 : i32
    %c0_i32_0 = arith.constant 0 : i32
    %c0_i32_1 = arith.constant 0 : i32
    return %c0_i32, %c0_i32_0 : i32, i32
  }
  func.func @transform_3(%arg0: i32) -> (i32, i32) {
    %c0_i32 = arith.constant 0 : i32
    %c0_i32_0 = arith.constant 0 : i32
    %c0_i32_1 = arith.constant 0 : i32
    return %c0_i32, %c0_i32_0 : i32, i32
  }
}

module attributes {stable_mosaic.version = 14 : i64} {
  func.func @_entropy_body(%arg0: memref<32x32x256xf32, #tpu.memory_space<vmem>>, %arg1: memref<1x256xf32, #tpu.memory_space<vmem>>, %arg2: memref<1x1xf32, #tpu.memory_space<smem>>) attributes {dimension_semantics = [], scalar_prefetch = 0 : i64, scratch_operands = 0 : i64, tpu.core_type = #tpu.core_type<tc>} {
    %get3A = arith.constant 0 : index
    %get3A_0 = arith.constant 0 : index
    %get3A_1 = arith.constant 0 : index
    %get3A_2 = vector.load %arg0[%get3A, %get3A_0, %get3A_1] : memref<32x32x256xf32, #tpu.memory_space<vmem>>, vector<32x32x256xf32>
    %reduce_sum3A = arith.constant dense<0.000000e+00> : vector<32x256xf32>
    %reduce_sum3A_3 = vector.multi_reduction <add>, %get3A_2, %reduce_sum3A [0] : vector<32x32x256xf32> to vector<32x256xf32>
    %mul3A = arith.constant 7.62939453E-6 : f32
    %mul3A_4 = vector.broadcast %mul3A : f32 to vector<32x256xf32>
    %mul3A_5 = arith.mulf %reduce_sum3A_3, %mul3A_4 : vector<32x256xf32>
    %neg3A = arith.constant 0.000000e+00 : f32
    %neg3A_6 = vector.broadcast %neg3A : f32 to vector<32x256xf32>
    %neg3A_7 = arith.subf %neg3A_6, %mul3A_5 : vector<32x256xf32>
    %add3A = arith.constant 1.000000e-07 : f32
    %add3A_8 = vector.broadcast %add3A : f32 to vector<32x256xf32>
    %add3A_9 = arith.addf %mul3A_5, %add3A_8 : vector<32x256xf32>
    %log3A = math.log %add3A_9 : vector<32x256xf32>
    %mul3A_10 = arith.mulf %neg3A_7, %log3A : vector<32x256xf32>
    %reduce_sum3A_11 = arith.constant dense<0.000000e+00> : vector<256xf32>
    %reduce_sum3A_12 = vector.multi_reduction <add>, %mul3A_10, %reduce_sum3A_11 [0] : vector<32x256xf32> to vector<256xf32>
    %get3A_13 = arith.constant 0 : index
    %get3A_14 = arith.constant 0 : index
    %get3A_15 = vector.load %arg1[%get3A_13, %get3A_14] : memref<1x256xf32, #tpu.memory_space<vmem>>, vector<1x256xf32>
    %sub3A = arith.constant 1.000000e+00 : f32
    %sub3A_16 = vector.broadcast %sub3A : f32 to vector<1x256xf32>
    %sub3A_17 = arith.subf %sub3A_16, %get3A_15 : vector<1x256xf32>
    %broadcast_in_dim3A = vector.shape_cast %reduce_sum3A_12 : vector<256xf32> to vector<1x256xf32>
    %mul3A_18 = arith.mulf %sub3A_17, %broadcast_in_dim3A : vector<1x256xf32>
    %reduce_sum3A_19 = vector.shape_cast %mul3A_18 : vector<1x256xf32> to vector<1x1x256xf32>
    %reduce_sum3A_20 = arith.constant dense<0.000000e+00> : vector<1xf32>
    %reduce_sum3A_21 = vector.multi_reduction <add>, %reduce_sum3A_19, %reduce_sum3A_20 [1, 2] : vector<1x1x256xf32> to vector<1xf32>
    %reduce_sum3A_22 = vector.shape_cast %reduce_sum3A_21 : vector<1xf32> to vector<1x1x1xf32>
    %reduce_sum3A_23 = vector.extract %reduce_sum3A_22[0, 0, 0] : f32 from vector<1x1x1xf32>
    %div3A = arith.constant 0.693147182 : f32
    %div3A_24 = arith.divf %reduce_sum3A_23, %div3A : f32
    %swap3A = arith.constant 0 : index
    %swap3A_25 = arith.constant 0 : index
    %swap3A_26 = memref.load %arg2[%swap3A, %swap3A_25] : memref<1x1xf32, #tpu.memory_space<smem>>
    memref.store %div3A_24, %arg2[%swap3A, %swap3A_25] : memref<1x1xf32, #tpu.memory_space<smem>>
    return
  }
}

</mosaic_0001>

<sc_bundles>
// kernel: kernel.5.cloned.1.call-start
scs
__scs_entry_jumppad:
0x0: {  	(pc) =	sbr.rel $0x88, $3  }
0x1: {  	(tag) =	ssettag $0x0;
	lr =	simm.s32 $0x1  }
0x2: {  	[smem:$0x3F9F] =	sst lr;
	_ =	strace $0xD0000000  }
0x3: {  	_ = 	snop  }
0x4: {  	_ = 	snop  }
0x5: {  	_ = 	snop  }
0x6: {  	_ = 	snop  }
0x7: {  	_ = 	snop  }
__scs_overlays_trampoline_lowered:
0x8: {  	[smem:$0x3FAE] =	sst s0  }
0x9: {  	[smem:$0x3FAF] =	sst s1  }
0xa: {  	[smem:$0x3FB0] =	sst s2  }
0xb: {  	[smem:$0x3FB1] =	sst s3  }
0xc: {  	[smem:$0x3FB2] =	sst s4  }
0xd: {  	[smem:$0x3FB3] =	sst s5  }
0xe: {  	[smem:$0x3FB4] =	sst s6  }
0xf: {  	[smem:$0x3FB5] =	sst s7  }
0x10: {  	[smem:$0x3FB6] =	sst s8  }
0x11: {  	[smem:$0x3FB7] =	sst s9;
	s0 =	simm.s32 @!p0 $0x0  }
0x12: {  	s1 =	sld [smem:$0x3F9D];
	s0 =	simm.s32 @p0 $0x1  }
0x13: {  	[smem:$0x3FB8] =	sst s0;
	s0 =	simm.s32 @!p1 $0x0  }
0x14: {  	s2 =	sld [smem:$0x3F9C];
	s0 =	simm.s32 @p1 $0x1  }
0x15: {  	[smem:$0x3FB9] =	sst s0;
	s0 =	simm.s32 @!p2 $0x0  }
0x16: {  	s3 =	sld [smem:$0x3FDB];
	s0 =	simm.s32 @p2 $0x1  }
0x17: {  	s4 =	simm.s32 $0x1BF5;
	[smem:$0x3FBB] =	sst s0  }
0x18: {  	s0 =	sld [smem:$0x3F9E];
	_ =	swait.ge [sflag:s4], $0x0  }
0x19: {  	s7 =	sld [smem:$0x3F9F]  }
0x1a: {  	s8 =	sadd.s32 $0xFFFFE003, lr  }
0x1b: {  	s9 =	sadd.s32 $0xFFFFFEF7, lr;
	s5 =	simm.s32 $0xFFFFFFFF;
	p2 =	slt.u32 s8, $0xFFFFF086  }
0x1c: {  	p1 =	slt.u32 s9, $0xF7A;
	s5 =	simm.s32 @!p2 $0x0  }
0x1d: {  	s5 =	simm.s32 @p1 $0x1;
	p0 =	seq.s32 s7, s2  }
0x1e: {  	s7 =	smul.u32 @!p0 $0xF7A, s2;
	p2 =	seq.s32 @!p0 s5, $0x0  }
0x1f: {  	s9 =	smul.u32 $0xF7A, s1;
	s8 =	simm.s32 @!p0 $0x1BF5;
	p2 =	por !p2, p0  }
0x20: {  	[sflag:s8] =	ssyncset.s32 @!p0 $0xFFFFF086;
	s6 =	sadd.s32 @!p0 s3, s7;
	s7 =	simm.s32 @!p0 $0x108  }
0x21: {  	s3 =	sadd.s32 s3, s9;
	s6 =	sadd.s32 @!p0 $0x88, s6;
	s7 =	simm.s32 @p2 $0x1082  }
0x22: {  	[simem:s7], [sflag:s8] =	dma.local @!p0 [hbm:s6], $0xF7A  }
0x23: {  	s9 =	sor.u32 $0xD0000000, s2;
	s6 =	simm.s32 $0x108;
	_ =	swait.ge @!p0 [sflag:s8], $0x0  }
0x24: {  	s3 =	sadd.s32 $0x88, s3;
	s6 =	simm.s32 @!p1 $0x1082;
	[sflag:s4] =	ssyncset.s32 $0xFFFFF086  }
0x25: {  	[simem:s6], [sflag:s4] =	dma.local [hbm:s3], $0xF7A  }
0x26: {  	[smem:$0x3F9F] =	sst s1;
	(tag) =	ssettag s2;
	_ =	strace s9  }
0x27: {  	s1 =	sld [smem:$0x3FAF]  }
0x28: {  	s2 =	sld [smem:$0x3FB0]  }
0x29: {  	s4 =	sld [smem:$0x3FB2]  }
0x2a: {  	p0 =	seq.s32 s5, $0x0;
	s5 =	sld [smem:$0x3FB3]  }
0x2b: {  	s6 =	sld [smem:$0x3FB4]  }
0x2c: {  	s7 =	sld [smem:$0x3FB5]  }
0x2d: {  	s3 =	simm.s32 $0x108;
	s8 =	sld [smem:$0x3FB6]  }
0x2e: {  	s3 =	simm.s32 @!p0 $0x1082;
	s9 =	sld [smem:$0x3FB7]  }
0x2f: {  	lr =	sadd.s32 s0, s3;
	s0 =	sld [smem:$0x3FAE]  }
0x30: {  	s3 =	sld [smem:$0x3FB1]  }
0x31: {  	[smem:$0x3FBA] =	sst s10  }
0x32: {  	s10 =	sld [smem:$0x3FB8];
	_ =	sdelay $0x3  }
0x33: {  	p0 =	seq.s32 s10, $0x1;
	s10 =	sld [smem:$0x3FBA];
	_ =	sdelay $0x3  }
0x34: {  	[smem:$0x3FBA] =	sst s10  }
0x35: {  	s10 =	sld [smem:$0x3FB9];
	_ =	sdelay $0x3  }
0x36: {  	p1 =	seq.s32 s10, $0x1;
	s10 =	sld [smem:$0x3FBA];
	_ =	sdelay $0x3  }
0x37: {  	[smem:$0x3FBA] =	sst s10  }
0x38: {  	s10 =	sld [smem:$0x3FBB]  }
0x39: {  	_ = 	snop;
	(pc) =	sbr.ind lr, $3  }
0x3a: {  	_ = 	snop  }
0x3b: {  	_ = 	snop  }
0x3c: {  	p2 =	seq.s32 s10, $0x1;
	s10 =	sld [smem:$0x3FBA]  }
0x3d: {  	_ =	shalt  }
0x3e: {  	_ =	shalt  }
0x3f: {  	_ =	shalt  }
0x40: {  	_ =	shalt  }
0x41: {  	_ =	shalt  }
0x42: {  	_ =	shalt  }
0x43: {  	_ =	shalt  }
0x44: {  	_ =	shalt  }
0x45: {  	_ =	shalt  }
0x46: {  	_ =	shalt  }
0x47: {  	_ =	shalt  }
0x48: {  	_ =	shalt  }
0x49: {  	_ =	shalt  }
0x4a: {  	_ =	shalt  }
0x4b: {  	_ =	shalt  }
0x4c: {  	_ =	shalt  }
0x4d: {  	_ =	shalt  }
0x4e: {  	_ =	shalt  }
0x4f: {  	_ =	shalt  }
0x50: {  	_ =	shalt  }
0x51: {  	_ =	shalt  }
0x52: {  	_ =	shalt  }
0x53: {  	_ =	shalt  }
0x54: {  	_ =	shalt  }
0x55: {  	_ =	shalt  }
0x56: {  	_ =	shalt  }
0x57: {  	_ =	shalt  }
0x58: {  	_ =	shalt  }
0x59: {  	_ =	shalt  }
0x5a: {  	_ =	shalt  }
0x5b: {  	_ =	shalt  }
0x5c: {  	_ =	shalt  }
0x5d: {  	_ =	shalt  }
0x5e: {  	_ =	shalt  }
0x5f: {  	_ =	shalt  }
0x60: {  	_ =	shalt  }
0x61: {  	_ =	shalt  }
0x62: {  	_ =	shalt  }
0x63: {  	_ =	shalt  }
0x64: {  	_ =	shalt  }
0x65: {  	_ =	shalt  }
0x66: {  	_ =	shalt  }
0x67: {  	_ =	shalt  }
0x68: {  	_ =	shalt  }
0x69: {  	_ =	shalt  }
0x6a: {  	_ =	shalt  }
0x6b: {  	_ =	shalt  }
0x6c: {  	_ =	shalt  }
0x6d: {  	_ =	shalt  }
0x6e: {  	_ =	shalt  }
0x6f: {  	_ =	shalt  }
0x70: {  	_ =	shalt  }
0x71: {  	_ =	shalt  }
0x72: {  	_ =	shalt  }
0x73: {  	_ =	shalt  }
0x74: {  	_ =	shalt  }
0x75: {  	_ =	shalt  }
0x76: {  	_ =	shalt  }
0x77: {  	_ =	shalt  }
0x78: {  	_ =	shalt  }
0x79: {  	_ =	shalt  }
0x7a: {  	_ =	shalt  }
0x7b: {  	_ =	shalt  }
0x7c: {  	_ =	shalt  }
0x7d: {  	_ =	shalt  }
0x7e: {  	_ =	shalt  }
0x7f: {  	_ =	shalt  }
0x80: {  	_ =	shalt  }
0x81: {  	_ =	shalt  }
0x82: {  	_ =	shalt  }
0x83: {  	_ =	shalt  }
0x84: {  	_ =	shalt  }
0x85: {  	_ =	shalt  }
0x86: {  	_ =	shalt  }
0x87: {  	_ =	shalt  }
.Lfunc_end0:
.L_simem_size_0:
called_computation_lowered:
.L_overlay_start_0:
0x88: {  	s2 =	sld [smem:$0x3FD9]  }
0x89: {  	s3 =	sld [smem:$0x3FFE];
	_ =	sdelay $0x1  }
0x8a: {  	s1 =	srdreg.scid  }
0x8b: {  	s0 =	sand.u32 $0x1, s1  }
0x8c: {  	s17 =	sshll.u32 s0, $0xA;
	s2 =	sadd.s32 s3, s2  }
0x8d: {  	s2 =	sadd.s32 s2, s17  }
0x8e: {  	[smem:$0x3FC6] =	sst s2  }
0x8f: {  	_ = 	snop  }
0x90: {  	s2 =	sld [smem:$0x3FC9]  }
0x91: {  	s18 =	sld [smem:$0x3FD0];
	(tm) =	ssettm $0x1  }
0x92: {  	s4 =	sld [smem:$0x3FFB];
	_ =	sdelay $0x3  }
0x93: {  	_ =	strace s4  }
0x94: {  	s4 =	sld [smem:$0x3FFC];
	_ =	sdelay $0x3  }
0x95: {  	_ =	strace s4  }
0x96: {  	s4 =	sld [smem:$0x3FFD];
	_ =	sdelay $0x3  }
0x97: {  	_ =	strace s4  }
0x98: {  	_ =	strace $0x8FFFFFFF  }
0x99: {  	s19 =	sld [smem:$0x3FDB];
	_ =	sdelay $0x1  }
0x9a: {  	s5 =	simm.s32 $_scs_section_size  }
0x9b: {  	s6 =	simm.s32 $_size__tile_overlayer_lowered;
	s7 =	simm.s32 $_tile_overlayer_lowered  }
0x9c: {  	s22 =	simm.s32 $0x1BFF;
	s21 =	sshll.u32 s7, $0x1;
	s4 =	sadd.s32 s5, s19  }
0x9d: {  	s8 =	simm.s32 $0x0;
	s20 =	sshll.u32 s6, $0x1;
	s6 =	sadd.s32 s21, s4  }
0x9e: {  	[timem:s8], [sflag:s22] =	dma.local [hbm:s6], s20  }
0x9f: {  	_ =	swait.ge [sflag:s22], s20  }
0xa0: {  	s5 =	ssub.s32 $0x0, s20;
	[sflag:s22] =	ssyncset.done $0x0  }
0xa1: {  	[sflag:s22] =	ssyncadd.s32 s5;
	_ =	sdelay $0x1  }
0xa2: {  	s23 =	simm.s32 $0x1B8B  }
0xa3: {  	_ =	swait.ge [sflag:s23], $0x1  }
0xa4: {  	[sflag:s23] =	ssyncset.done $0x0  }
0xa5: {  	s25 =	simm.s32 $0x1B8E;
	s24 =	sld [smem:$0x3FFE];
	[sflag:s23] =	ssyncadd.s32 $0xFFFFFFFF  }
0xa6: {  	s26 =	simm.s32 $execute0_lowered;
	[smem:$0x3FD2] =	sst s25  }
0xa7: {  	s6 =	sshll.u32 s26, $0x1;
	_ =	strace $0x80000046;
	[dreg:$0x1] =	wrdreg $0xFFFFFFFF  }
0xa8: {  	s28 =	simm.s32 $_size_execute0_lowered;
	s4 =	sadd.s32 s4, s6;
	[dreg:$0x0] =	wrdreg $0x0  }
0xa9: {  	s6 =	sshll.u32 s28, $0x1;
	[dreg:$0x2] =	wrdreg s4  }
0xaa: {  	[dreg:$0x3] =	wrdreg s6  }
0xab: {  	[dreg:$0x4] =	wrdreg $0xC0  }
0xac: {  	_ =	task [dreg:s8], $0x5FFFF  }
0xad: {  	[dreg:$0x1] =	wrdreg $0xFFFFFFFF  }
0xae: {  	[dreg:$0x0] =	wrdreg $0x60  }
0xaf: {  	[dreg:$0x2] =	wrdreg s2  }
0xb0: {  	[dreg:$0x3] =	wrdreg s18  }
0xb1: {  	[dreg:$0x4] =	wrdreg s24  }
0xb2: {  	[dreg:$0x5] =	wrdreg $0x9  }
0xb3: {  	_ =	task.clear_ibuf [dreg:s8], $0x6FFFF;
	_ =	strace $0x90000046  }
0xb4: {  	s29 =	simm.s32 $0x9;
	_ =	strace $0x80000048  }
0xb5: {  	_ =	swait.ge [sflag:s29], $0x1  }
0xb6: {  	[sflag:s29] =	ssyncadd.s32 $0xFFFFFFFF  }
0xb7: {  	_ =	strace $0x90000048  }
0xb8: {  	_ =	sfence  }
0xb9: {  	s30 =	sld [smem:$0x0];
	_ =	sdelay $0x2  }
0xba: {  	s31 =	sshll.u32 s1, $0xD;
	s1 =	sshrl.u32 s1, $0x2  }
0xbb: {  	s3 =	sand.u32 $0x4000, s31;
	s1 =	sadd.s32 s1, s30  }
0xbc: {  	s0 =	sor.u32 s3, s0;
	s1 =	sshll.u32 s1, $0x11  }
0xbd: {  	s0 =	sor.u32 s1, s0  }
0xbe: {  	s0 =	sadd.s32 $0x8F2B, s0  }
0xbf: {  	[sflag:s0] =	ssyncadd.remote.s32 $0x1  }
0xc0: {  	_ =	sfence.sel $0xFFFF  }
0xc1: {  	[dreg:$0x0] =	wrdreg $0xFFFFFFFF;
	(pc) =	sbr.abs _section_cstart, $3  }
0xc2: {  	[dreg:$0x1] =	wrdreg $0xFFFFFFFF  }
0xc3: {  	_ =	task.clear_ibuf [dreg:s8], $0x2FFFF;
	_ =	strace $0x9FFFFFFF  }
0xc4: {  	(tm) =	ssettm $0x7FFFFFFF  }
0xc5: {  	_ =	shalt  }
tec
execute0_lowered:
.L_overlay_start_1:
0x0: {  	(tag) =	ssettag $0x1  }
0x1: {  	s6 =	rddreg [dreg:$0x0]  }
0x2: {  	s1 =	rddreg [dreg:$0x1]  }
0x3: {  	s7 =	rddreg [dreg:$0x2];
	s3 =	simm.s32 $0x0;
	s2 =	stileid.u32  }
0x4: {  	s8 =	srdreg.scid;
	s12 =	simm.s32 $0x8000;
	s13 =	simm.s32 $0x12100  }
0x5: {  	s14 =	simm.s32 $0x3;
	s15 =	simm.s32 $0x12180;
	s16 =	simm.s32 $0x12200  }
0x6: {  	s17 =	simm.s32 $0x1;
	s18 =	simm.s32 $0x10000;
	s19 =	simm.s32 $0x2  }
0x7: {  	v0 =	vimm.f32 $0.0e+00;
	v1 =	vlaneseq.u32;
	s20 =	simm.s32 $0x80;
	s21 =	simm.s32 $0x400;
	s22 =	simm.s32 $0x0  }
0x8: {  	v2 =	vimm.f32 $1.000000000e+00;
	[smem:$0x7FF] =	sst s3;
	s4 =	sadd.s32 $0xC00, s7;
	s5 =	sshll.u32 s2, $0xB;
	v3 =	vor.u32 $0x10, v1;
	v4 =	vor.u32 $0x20, v1  }
0x9: {  	s8 =	sand.u32 $0x1, s8;
	s10 =	sshll.u32 s2, $0x1;
	v5 =	vor.u32 $0x30, v1;
	v6 =	vor.u32 $0x40, v1;
	v7 =	vor.u32 $0x50, v1;
	_ =	strace $0x80000047  }
0xa: {  	v8 =	vor.u32 $0x60, v1;
	v9 =	vor.u32 $0x70, v1;
	v10 =	vor.u32 $0x80, v1;
	s9 =	sand.u32 $0x6000, s5;
	s5 =	sadd.s32 $0xA00, s7;
	s30 =	sor.u32 s8, s10  }
.Ltmp0:
0xb: {  	v11 =	vor.u32 $0xFFFFFF80, v1;
	v12 =	vor.u32 $0x90, v1;
	v13 =	vor.u32 $0xFFFFFF90, v1;
	s8 =	ssub.s32 $0x2, s8;
	s9 =	sadd.s32 s9, s7;
	(pc) =	sbr.rel .LBB2_1-.Ltmp0, $4  }
0xc: {  	v14 =	vor.u32 $0xA0, v1;
	v15 =	vor.u32 $0xFFFFFFA0, v1;
	v16 =	vor.u32 $0xB0, v1;
	s10 =	sshll.u32 s30, $0x11;
	s7 =	sshll.u32 s30, $0x4;
	s11 =	sshrl.u32 s8, $0x1  }
0xd: {  	v17 =	vor.u32 $0xFFFFFFB0, v1;
	v18 =	vor.u32 $0xC0, v1;
	v19 =	vor.u32 $0xFFFFFFC0, v1;
	s6 =	sadd.s32 s6, s10;
	s31 =	sand.u32 $0x70, s7;
	s11 =	ssub.s32 s8, s11  }
0xe: {  	v20 =	vor.u32 $0xD0, v1;
	v21 =	vor.u32 $0xFFFFFFD0, v1;
	v22 =	vor.u32 $0xE0, v1;
	s7 =	sadd.s32 $0x1000, s6;
	s10 =	sadd.s32 s31, s9;
	s8 =	sadd.s32 $0x2000, s6  }
0xf: {  	v23 =	vor.u32 $0xFFFFFFE0, v1;
	v24 =	vor.u32 $0xF0, v1;
	v25 =	vor.u32 $0xFFFFFFF0, v1;
	s9 =	sadd.s32 $0x3000, s6;
	s11 =	smax.u32 s11, $0x1;
	s10 =	sadd.s32 $0xE00, s10  }
.LBB2_14:
0x10: {  	s22 =	sadd.s32 $0x1, s22  }
0x11: {  	p0 =	sne.s32 s22, s11  }
.Ltmp1:
0x12: {  	_ = 	snop;
	(pc) =	sbr.rel @!p0 .LBB2_15-.Ltmp1, $4  }
0x13: {  	[hbm4b:s10+s20] =	stream.strided.scatter [tilespmem:s18], [sflag:$0x3], $0x2000, s21, s20, $0x38;
	[tilespmem:$0x12280] =	vst v63  }
0x14: {  	_ =	swait.ge [sflag:s14], $0x2000  }
0x15: {  	[sflag:s14] =	ssyncset.done $0x0  }
0x16: {  	[sflag:s14] =	ssyncadd.s32 $0xFFFFE000  }
.LBB2_1:
0x17: {  	[tilespmem:s3], [sflag:$0x1] =	stream.linear.gather [hbm4b:s6+s3], $0x8000, $0x38;
	[tilespmem:$0x12280] =	vst v63  }
0x18: {  	_ = 	snop  }
0x19: {  	[tilespmem:s12], [sflag:$0x2] =	stream.linear.gather [hbm4b:s7+s3], $0x8000, $0x38;
	[tilespmem:$0x12280] =	vst v63  }
0x1a: {  	_ = 	snop  }
0x1b: {  	[tilespmem:s13], [sflag:$0x3] =	stream.linear.gather [hbm4b:s1+s3], $0x80, $0x38;
	[tilespmem:$0x12280] =	vst v63  }
0x1c: {  	_ =	swait.ge [sflag:s14], $0x80  }
0x1d: {  	[sflag:s14] =	ssyncset.done $0x0  }
0x1e: {  	[sflag:s14] =	ssyncadd.s32 $0xFFFFFF80  }
0x1f: {  	[tilespmem:s15], [sflag:$0x3] =	stream.linear.gather [hbm4b:s4+s3], $0x80, $0x38;
	[tilespmem:$0x12280] =	vst v63  }
0x20: {  	_ =	swait.ge [sflag:s14], $0x80  }
0x21: {  	[sflag:s14] =	ssyncset.done $0x0  }
0x22: {  	[sflag:s14] =	ssyncadd.s32 $0xFFFFFF80  }
0x23: {  	[tilespmem:s16], [sflag:$0x3] =	stream.linear.gather [hbm4b:s5+s3], $0x80, $0x38;
	[tilespmem:$0x12280] =	vst v63  }
0x24: {  	_ =	swait.ge [sflag:s14], $0x80  }
0x25: {  	[sflag:s14] =	ssyncset.done $0x0  }
0x26: {  	[sflag:s14] =	ssyncadd.s32 $0xFFFFFF80  }
0x27: {  	v26 =	vld [tilespmem:$0x12100]  }
0x28: {  	s23 =	simm.s32 $0x10040;
	v27 =	vld [tilespmem:$0x12180]  }
0x29: {  	v28 =	vld [tilespmem:$0x12200];
	[tilespmem:s23+$0xFFFFFFC0] =	vst v0  }
0x2a: {  	[tilespmem:s23+$0x30] =	vst v0  }
0x2b: {  	[tilespmem:s23+$0x20] =	vst v0  }
0x2c: {  	[tilespmem:s23+$0x10] =	vst v0  }
0x2d: {  	[tilespmem:s23+$0x0] =	vst v0  }
0x2e: {  	[tilespmem:s23+$0xFFFFFFF0] =	vst v0  }
0x2f: {  	s24 =	simm.s32 $0x0;
	[tilespmem:s23+$0xFFFFFFE0] =	vst v0  }
.LBB2_2:
0x30: {  	s24 =	sadd.s32 $0x8, s24;
	[tilespmem:s23+$0xFFFFFFD0] =	vst v0;
	s23 =	sadd.s32 $0x80, s23  }
0x31: {  	[tilespmem:s23+$0xFFFFFFC0] =	vst v0;
	p0 =	slt.u32 s24, $0x208  }
0x32: {  	[tilespmem:s23+$0x30] =	vst v0  }
.Ltmp2:
0x33: {  	[tilespmem:s23+$0x20] =	vst v0;
	(pc) =	sbr.rel @p0 .LBB2_2-.Ltmp2, $4  }
0x34: {  	[tilespmem:s23+$0x10] =	vst v0  }
0x35: {  	[tilespmem:s23+$0x0] =	vst v0  }
0x36: {  	[tilespmem:s23+$0xFFFFFFF0] =	vst v0  }
0x37: {  	[tilespmem:s23+$0xFFFFFFE0] =	vst v0  }
0x38: {  	[tilespmem:s23+$0xFFFFFFD0] =	vst v0;
	s23 =	simm.s32 $0x0;
	s24 =	simm.s32 $0x0  }
.LBB2_4:
0x39: {  	_ =	swait.ge [sflag:s17], $0x8000  }
0x3a: {  	s25 =	sand.u32 $0x7800, s23;
	s26 =	sand.u32 $0x380, s23;
	[sflag:s17] =	ssyncset.done $0x0  }
0x3b: {  	s25 =	sor.u32 s26, s25;
	[sflag:s17] =	ssyncadd.s32 $0xFFFF8000  }
0x3c: {  	v31 =	vld [tilespmem:s25+$0x70]  }
0x3d: {  	v29 =	vld [tilespmem:s25+$0x0]  }
0x3e: {  	v32 =	vld [tilespmem:s25+$0x10]  }
0x3f: {  	v33 =	vld [tilespmem:s25+$0x20]  }
0x40: {  	v34 =	vld [tilespmem:s25+$0x30]  }
0x41: {  	v36 =	vld [tilespmem:s25+$0x40]  }
0x42: {  	v30 =	vld [tilespmem:s25+$0x50];
	_ =	sdelay $0x1  }
0x43: {  	v35 =	vmul.f32 v31, v26;
	v37 =	vmul.f32 v29, v26;
	vm2 =	vlt.f32 v29, v28  }
0x44: {  	v38 =	vmul.f32 v32, v26;
	vm3 =	vlt.f32 v32, v28;
	v29 =	vld [tilespmem:s25+$0x60];
	v58 =	vmul.f32 v33, v26  }
0x45: {  	v60 =	vmul.f32 v34, v26;
	v39 =	vmul.f32 v36, v26;
	v56 =	vadd.f32 v35, v27  }
0x46: {  	v61 =	vmul.f32 v30, v26;
	vm7 =	vlt.f32 v31, v28;
	vm1 =	vlt.f32 v34, v28  }
0x47: {  	v57 =	vadd.f32 v37, v27;
	v59 =	vadd.f32 v38, v27;
	v32 =	vtrunc.f32 v56  }
0x48: {  	v37 =	vadd.f32 v58, v27;
	v41 =	vadd.f32 v60, v27;
	v40 =	vcvt.f32.s32 v32  }
0x49: {  	v39 =	vadd.f32 v39, v27;
	v62 =	vadd.f32 v61, v27;
	v42 =	vmul.f32 v29, v26  }
0x4a: {  	v38 =	vtrunc.f32 v59;
	v35 =	vtrunc.f32 v37;
	v31 =	vand.u32 $0xFFFFFF00, v40  }
0x4b: {  	v37 =	vtrunc.f32 v41;
	v63 =	vadd.f32 v42, v27;
	v31 =	vor.u32 v9, v31  }
0x4c: {  	vm0 =	vlt.f32 v36, v28;
	v34 =	vtrunc.f32 v39;
	v36 =	vtrunc.f32 v62  }
0x4d: {  	s28 =	simm.s32 $0x100;
	s26 =	simm.s32 $0x80;
	vm5 =	vlt.f32 v33, v28;
	s25 =	simm.s32 $0x0;
	v32 =	vtrunc.f32 v57;
	v33 =	vtrunc.f32 v63  }
.LBB2_5:
0x4e: {  	v32 =	vcvt.f32.s32 v32;
	v38 =	vcvt.f32.s32 v38;
	vm4 =	vlt.f32 v30, v28  }
0x4f: {  	s29 =	sand.u32 $0x7800, s28;
	s30 =	sand.u32 $0x380, s26;
	s25 =	sadd.s32 $0x8, s25;
	vm10 =	vmmov vm2;
	vm9 =	vmmov vm3;
	vm8 =	vmmov vm5  }
0x50: {  	v30 =	vcvt.f32.s32 v35;
	v35 =	vcvt.f32.s32 v37;
	vm6 =	vlt.f32 v29, v28;
	s29 =	sor.u32 s30, s29;
	p0 =	slt.u32 s25, $0x3F8;
	[tilespmem:v31+s18+$0x0] =	vst.idx.add.f32.msk vm7, v2  }
0x51: {  	v31 =	vld [tilespmem:s29+$0x70];
	v29 =	vand.u32 $0xFFFFFF00, v32;
	v32 =	vcvt.f32.s32 v34;
	v34 =	vcvt.f32.s32 v36  }
0x52: {  	v33 =	vcvt.f32.s32 v33;
	v37 =	vand.u32 $0xFFFFFF00, v38;
	v30 =	vand.u32 $0xFFFFFF00, v30;
	v36 =	vld [tilespmem:s29+$0x0]  }
0x53: {  	v35 =	vand.u32 $0xFFFFFF00, v35;
	v38 =	vld [tilespmem:s29+$0x10];
	v32 =	vand.u32 $0xFFFFFF00, v32;
	v34 =	vand.u32 $0xFFFFFF00, v34  }
0x54: {  	v40 =	vor.u32 v1, v29;
	v37 =	vor.u32 v3, v37;
	v29 =	vand.u32 $0xFFFFFF00, v33;
	v39 =	vld [tilespmem:s29+$0x20]  }
0x55: {  	v41 =	vor.u32 v4, v30;
	v35 =	vor.u32 v5, v35;
	v42 =	vor.u32 v6, v32;
	v33 =	vld [tilespmem:s29+$0x30]  }
0x56: {  	v45 =	vor.u32 v8, v29;
	v44 =	vor.u32 v7, v34;
	v43 =	vld [tilespmem:s29+$0x40];
	v32 =	vmul.f32 v31, v26  }
0x57: {  	v34 =	vmul.f32 v36, v26;
	vm2 =	vlt.f32 v36, v28;
	v30 =	vld [tilespmem:s29+$0x50]  }
0x58: {  	v36 =	vmul.f32 v38, v26;
	vm3 =	vlt.f32 v38, v28;
	v29 =	vld [tilespmem:s29+$0x60];
	v32 =	vadd.f32 v32, v27  }
0x59: {  	v34 =	vadd.f32 v34, v27;
	v38 =	vmul.f32 v39, v26;
	vm5 =	vlt.f32 v39, v28  }
0x5a: {  	v36 =	vadd.f32 v36, v27;
	v39 =	vmul.f32 v33, v26;
	v32 =	vtrunc.f32 v32;
	[tilespmem:v40+s18+$0x0] =	vst.idx.add.f32.msk vm10, v2  }
0x5b: {  	v40 =	vadd.f32 v38, v27;
	v38 =	vmul.f32 v43, v26;
	v46 =	vcvt.f32.s32 v32;
	[tilespmem:v37+s18+$0x0] =	vst.idx.add.f32.msk vm9, v2  }
0x5c: {  	v32 =	vtrunc.f32 v34;
	v34 =	vadd.f32 v39, v27;
	v37 =	vmul.f32 v30, v26;
	[tilespmem:v41+s18+$0x0] =	vst.idx.add.f32.msk vm8, v2  }
.Ltmp3:
0x5d: {  	vm7 =	vlt.f32 v31, v28;
	v39 =	vmul.f32 v29, v26;
	v31 =	vand.u32 $0xFFFFFF00, v46;
	[tilespmem:v35+s18+$0x0] =	vst.idx.add.f32.msk vm1, v2;
	(pc) =	sbr.rel @p0 .LBB2_5-.Ltmp3, $4  }
0x5e: {  	v41 =	vadd.f32 v38, v27;
	v46 =	vadd.f32 v37, v27;
	v31 =	vor.u32 v9, v31  }
0x5f: {  	v38 =	vtrunc.f32 v36;
	v35 =	vtrunc.f32 v40;
	v39 =	vadd.f32 v39, v27;
	[tilespmem:v42+s18+$0x0] =	vst.idx.add.f32.msk vm0, v2  }
0x60: {  	vm1 =	vlt.f32 v33, v28;
	v37 =	vtrunc.f32 v34;
	v34 =	vtrunc.f32 v41;
	[tilespmem:v44+s18+$0x0] =	vst.idx.add.f32.msk vm4, v2  }
0x61: {  	s26 =	sadd.s32 $0x80, s26;
	s28 =	sadd.s32 $0x100, s28;
	vm0 =	vlt.f32 v43, v28;
	v36 =	vtrunc.f32 v46;
	v33 =	vtrunc.f32 v39;
	[tilespmem:v45+s18+$0x0] =	vst.idx.add.f32.msk vm6, v2  }
0x62: {  	v32 =	vcvt.f32.s32 v32  }
0x63: {  	v38 =	vcvt.f32.s32 v38;
	vm2 =	vmmov vm2;
	vm3 =	vmmov vm3  }
0x64: {  	vm4 =	vmmov vm5;
	v35 =	vcvt.f32.s32 v35;
	v32 =	vand.u32 $0xFFFFFF00, v32  }
0x65: {  	v37 =	vcvt.f32.s32 v37;
	v38 =	vand.u32 $0xFFFFFF00, v38;
	v32 =	vor.u32 v1, v32  }
0x66: {  	v34 =	vcvt.f32.s32 v34;
	v35 =	vand.u32 $0xFFFFFF00, v35;
	v38 =	vor.u32 v3, v38  }
0x67: {  	v36 =	vcvt.f32.s32 v36;
	v37 =	vand.u32 $0xFFFFFF00, v37;
	v35 =	vor.u32 v4, v35  }
0x68: {  	v33 =	vcvt.f32.s32 v33;
	v34 =	vand.u32 $0xFFFFFF00, v34;
	v37 =	vor.u32 v5, v37  }
0x69: {  	vm5 =	vlt.f32 v30, v28;
	[tilespmem:v31+s18+$0x0] =	vst.idx.add.f32.msk vm7, v2;
	v30 =	vand.u32 $0xFFFFFF00, v36;
	v31 =	vor.u32 v6, v34  }
0x6a: {  	vm6 =	vlt.f32 v29, v28;
	v29 =	vand.u32 $0xFFFFFF00, v33;
	v30 =	vor.u32 v7, v30;
	[tilespmem:v32+s18+$0x0] =	vst.idx.add.f32.msk vm2, v2  }
0x6b: {  	v29 =	vor.u32 v8, v29;
	[tilespmem:v38+s18+$0x0] =	vst.idx.add.f32.msk vm3, v2  }
0x6c: {  	[tilespmem:v35+s18+$0x0] =	vst.idx.add.f32.msk vm4, v2  }
0x6d: {  	[tilespmem:v37+s18+$0x0] =	vst.idx.add.f32.msk vm1, v2  }
0x6e: {  	s25 =	simm.s32 $0x0;
	[tilespmem:v31+s18+$0x0] =	vst.idx.add.f32.msk vm0, v2  }
0x6f: {  	s26 =	sand.u32 $0x7800, s25;
	s25 =	sand.u32 $0x380, s25;
	[tilespmem:v30+s18+$0x0] =	vst.idx.add.f32.msk vm5, v2  }
0x70: {  	s25 =	sor.u32 s25, s26;
	[tilespmem:v29+s18+$0x0] =	vst.idx.add.f32.msk vm6, v2  }
0x71: {  	v29 =	vld [tilespmem:s25+$0x470]  }
0x72: {  	v30 =	vld [tilespmem:s25+$0x400]  }
0x73: {  	v31 =	vld [tilespmem:s25+$0x410]  }
0x74: {  	v32 =	vld [tilespmem:s25+$0x420]  }
0x75: {  	v50 =	vld [tilespmem:s25+$0x430]  }
0x76: {  	v51 =	vld [tilespmem:s25+$0x440]  }
0x77: {  	v37 =	vld [tilespmem:s25+$0x450]  }
0x78: {  	v38 =	vld [tilespmem:s25+$0x460];
	_ =	sdelay $0x1  }
0x79: {  	s30 =	simm.s32 $0x80;
	s31 =	simm.s32 $0x100;
	v52 =	vmul.f32 v29, v26;
	v53 =	vmul.f32 v30, v26  }
0x7a: {  	s26 =	sand.u32 $0x7800, s31;
	s25 =	sand.u32 $0x380, s30;
	vm0 =	vlt.f32 v30, v28;
	v30 =	vmul.f32 v31, v26;
	v54 =	vmul.f32 v32, v26  }
0x7b: {  	s25 =	sor.u32 s25, s26;
	vm3 =	vlt.f32 v31, v28;
	v39 =	vmul.f32 v50, v26;
	v40 =	vmul.f32 v51, v26  }
0x7c: {  	v61 =	vld [tilespmem:s25+$0x400];
	v41 =	vmul.f32 v37, v26;
	v42 =	vmul.f32 v38, v26;
	v35 =	vadd.f32 v52, v27  }
0x7d: {  	vm4 =	vlt.f32 v29, v28;
	vm6 =	vlt.f32 v32, v28;
	vm1 =	vlt.f32 v50, v28  }
0x7e: {  	vm2 =	vlt.f32 v51, v28;
	v31 =	vadd.f32 v53, v27;
	v35 =	vtrunc.f32 v35  }
0x7f: {  	v30 =	vadd.f32 v30, v27;
	v36 =	vadd.f32 v54, v27;
	v35 =	vcvt.f32.s32 v35  }
0x80: {  	v63 =	vld [tilespmem:s25+$0x410];
	vm5 =	vlt.f32 v37, v28;
	v39 =	vadd.f32 v39, v27;
	v29 =	vadd.f32 v40, v27  }
0x81: {  	v48 =	vld [tilespmem:s25+$0x420];
	v55 =	vadd.f32 v41, v27;
	v54 =	vmul.f32 v61, v26;
	v35 =	vor.u32 v24, v35  }
0x82: {  	v31 =	vtrunc.f32 v31;
	v30 =	vtrunc.f32 v30;
	v35 =	vand.u32 v25, v35  }
0x83: {  	v56 =	vadd.f32 v42, v27;
	v36 =	vtrunc.f32 v36;
	v57 =	vtrunc.f32 v39  }
0x84: {  	v44 =	vld [tilespmem:s25+$0x440];
	vm9 =	vmmov vm0;
	v29 =	vtrunc.f32 v29;
	v58 =	vtrunc.f32 v55  }
0x85: {  	v51 =	vld [tilespmem:s25+$0x430];
	vm8 =	vmmov vm3;
	v59 =	vtrunc.f32 v56;
	v55 =	vmul.f32 v63, v26  }
0x86: {  	vm7 =	vmmov vm6;
	v56 =	vmul.f32 v48, v26;
	v31 =	vcvt.f32.s32 v31  }
0x87: {  	vm0 =	vlt.f32 v38, v28;
	v30 =	vcvt.f32.s32 v30;
	v60 =	vcvt.f32.s32 v36;
	[tilespmem:v35+s18+$0x0] =	vst.idx.add.f32.msk vm4, v2  }
0x88: {  	vm3 =	vlt.f32 v61, v28;
	v32 =	vcvt.f32.s32 v57;
	v29 =	vcvt.f32.s32 v29;
	v35 =	vld [tilespmem:s25+$0x470]  }
0x89: {  	vm6 =	vlt.f32 v48, v28;
	v33 =	vcvt.f32.s32 v58;
	v62 =	vcvt.f32.s32 v59  }
0x8a: {  	v57 =	vmul.f32 v51, v26;
	v58 =	vmul.f32 v44, v26;
	v36 =	vadd.f32 v55, v27  }
0x8b: {  	v31 =	vor.u32 v10, v31;
	v30 =	vor.u32 v12, v30;
	v34 =	vor.u32 v14, v60  }
0x8c: {  	v32 =	vor.u32 v16, v32;
	v29 =	vor.u32 v18, v29;
	v49 =	vand.u32 v11, v31  }
0x8d: {  	v50 =	vand.u32 v13, v30;
	v30 =	vor.u32 v22, v62;
	v31 =	vld [tilespmem:s25+$0x450];
	v53 =	vmul.f32 v35, v26  }
0x8e: {  	v34 =	vand.u32 v15, v34;
	v43 =	vand.u32 v19, v29;
	v29 =	vand.u32 v23, v30;
	v30 =	vld [tilespmem:s25+$0x460]  }
0x8f: {  	v33 =	vor.u32 v20, v33;
	v52 =	vand.u32 v17, v32;
	v32 =	vadd.f32 v53, v27  }
0x90: {  	v38 =	vadd.f32 v56, v27;
	v59 =	vadd.f32 v57, v27;
	v45 =	vand.u32 v21, v33  }
0x91: {  	v33 =	vadd.f32 v54, v27;
	v39 =	vtrunc.f32 v36;
	[tilespmem:v49+s18+$0x0] =	vst.idx.add.f32.msk vm9, v2;
	v32 =	vtrunc.f32 v32  }
0x92: {  	v62 =	vadd.f32 v58, v27;
	[tilespmem:v50+s18+$0x0] =	vst.idx.add.f32.msk vm8, v2;
	v60 =	vmul.f32 v31, v26;
	v32 =	vcvt.f32.s32 v32  }
0x93: {  	v36 =	vtrunc.f32 v38;
	vm4 =	vlt.f32 v63, v28;
	[tilespmem:v34+s18+$0x0] =	vst.idx.add.f32.msk vm7, v2;
	v61 =	vmul.f32 v30, v26  }
0x94: {  	v63 =	vadd.f32 v60, v27;
	vm7 =	vlt.f32 v35, v28;
	v32 =	vor.u32 v24, v32  }
0x95: {  	v38 =	vtrunc.f32 v59;
	[tilespmem:v52+s18+$0x0] =	vst.idx.add.f32.msk vm1, v2;
	v34 =	vadd.f32 v61, v27;
	v32 =	vand.u32 v25, v32  }
0x96: {  	v33 =	vtrunc.f32 v33;
	vm1 =	vlt.f32 v51, v28;
	[tilespmem:v43+s18+$0x0] =	vst.idx.add.f32.msk vm2, v2;
	v37 =	vtrunc.f32 v63  }
0x97: {  	s28 =	simm.s32 $0x200;
	s26 =	simm.s32 $0x100;
	s25 =	simm.s32 $0x8;
	vm2 =	vlt.f32 v44, v28;
	[tilespmem:v45+s18+$0x0] =	vst.idx.add.f32.msk vm5, v2;
	v35 =	vtrunc.f32 v62;
	v34 =	vtrunc.f32 v34  }
.LBB2_7:
0x98: {  	v33 =	vcvt.f32.s32 v33;
	v39 =	vcvt.f32.s32 v39;
	vm5 =	vlt.f32 v31, v28  }
0x99: {  	s29 =	sand.u32 $0x7800, s28;
	s30 =	sand.u32 $0x380, s26;
	s25 =	sadd.s32 $0x8, s25;
	[tilespmem:v29+s18+$0x0] =	vst.idx.add.f32.msk vm0, v2;
	vm10 =	vmmov vm3;
	vm9 =	vmmov vm4;
	vm8 =	vmmov vm6  }
0x9a: {  	v29 =	vcvt.f32.s32 v36;
	v31 =	vcvt.f32.s32 v38;
	vm0 =	vlt.f32 v30, v28;
	s29 =	sor.u32 s30, s29;
	p0 =	slt.u32 s25, $0x3F8;
	[tilespmem:v32+s18+$0x0] =	vst.idx.add.f32.msk vm7, v2  }
0x9b: {  	v32 =	vld [tilespmem:s29+$0x470];
	v30 =	vor.u32 v10, v33;
	v33 =	vcvt.f32.s32 v35;
	v35 =	vcvt.f32.s32 v37  }
0x9c: {  	v34 =	vcvt.f32.s32 v34;
	v37 =	vor.u32 v12, v39;
	v29 =	vor.u32 v14, v29;
	v36 =	vld [tilespmem:s29+$0x400]  }
0x9d: {  	v31 =	vor.u32 v16, v31;
	v38 =	vld [tilespmem:s29+$0x410];
	v33 =	vor.u32 v18, v33;
	v35 =	vor.u32 v20, v35  }
0x9e: {  	v40 =	vand.u32 v11, v30;
	v37 =	vand.u32 v13, v37;
	v30 =	vor.u32 v22, v34;
	v39 =	vld [tilespmem:s29+$0x420]  }
0x9f: {  	v41 =	vand.u32 v15, v29;
	v42 =	vand.u32 v17, v31;
	v43 =	vand.u32 v19, v33;
	v34 =	vld [tilespmem:s29+$0x430]  }
0xa0: {  	v29 =	vand.u32 v23, v30;
	v45 =	vand.u32 v21, v35;
	v44 =	vld [tilespmem:s29+$0x440];
	v33 =	vmul.f32 v32, v26  }
0xa1: {  	v35 =	vmul.f32 v36, v26;
	vm3 =	vlt.f32 v36, v28;
	v31 =	vld [tilespmem:s29+$0x450]  }
0xa2: {  	v36 =	vmul.f32 v38, v26;
	vm4 =	vlt.f32 v38, v28;
	v30 =	vld [tilespmem:s29+$0x460];
	v33 =	vadd.f32 v33, v27  }
0xa3: {  	v35 =	vadd.f32 v35, v27;
	v38 =	vmul.f32 v39, v26;
	vm6 =	vlt.f32 v39, v28  }
0xa4: {  	v36 =	vadd.f32 v36, v27;
	v39 =	vmul.f32 v34, v26;
	v33 =	vtrunc.f32 v33;
	[tilespmem:v40+s18+$0x0] =	vst.idx.add.f32.msk vm10, v2  }
0xa5: {  	v38 =	vadd.f32 v38, v27;
	v40 =	vmul.f32 v44, v26;
	v46 =	vcvt.f32.s32 v33;
	[tilespmem:v37+s18+$0x0] =	vst.idx.add.f32.msk vm9, v2  }
0xa6: {  	v33 =	vtrunc.f32 v35;
	v35 =	vadd.f32 v39, v27;
	v37 =	vmul.f32 v31, v26;
	[tilespmem:v41+s18+$0x0] =	vst.idx.add.f32.msk vm8, v2  }
.Ltmp4:
0xa7: {  	vm7 =	vlt.f32 v32, v28;
	v41 =	vmul.f32 v30, v26;
	v39 =	vor.u32 v24, v46;
	(pc) =	sbr.rel @p0 .LBB2_7-.Ltmp4, $4  }
0xa8: {  	v40 =	vadd.f32 v40, v27;
	v37 =	vadd.f32 v37, v27;
	v32 =	vand.u32 v25, v39  }
0xa9: {  	v39 =	vtrunc.f32 v36;
	v36 =	vtrunc.f32 v38;
	v41 =	vadd.f32 v41, v27;
	[tilespmem:v42+s18+$0x0] =	vst.idx.add.f32.msk vm1, v2  }
0xaa: {  	v38 =	vtrunc.f32 v35;
	vm1 =	vlt.f32 v34, v28;
	v35 =	vtrunc.f32 v40;
	[tilespmem:v43+s18+$0x0] =	vst.idx.add.f32.msk vm2, v2  }
0xab: {  	s26 =	sadd.s32 $0x80, s26;
	s28 =	sadd.s32 $0x100, s28;
	vm2 =	vlt.f32 v44, v28;
	v37 =	vtrunc.f32 v37;
	v34 =	vtrunc.f32 v41;
	[tilespmem:v45+s18+$0x0] =	vst.idx.add.f32.msk vm5, v2  }
0xac: {  	v33 =	vcvt.f32.s32 v33;
	v39 =	vcvt.f32.s32 v39;
	vm5 =	vlt.f32 v31, v28  }
0xad: {  	vm3 =	vmmov vm3;
	vm4 =	vmmov vm4;
	vm6 =	vmmov vm6  }
0xae: {  	v31 =	vcvt.f32.s32 v36;
	v44 =	vcvt.f32.s32 v38;
	v33 =	vor.u32 v10, v33  }
0xaf: {  	vm8 =	vlt.f32 v30, v28;
	v30 =	vor.u32 v12, v39;
	v33 =	vand.u32 v11, v33  }
0xb0: {  	v35 =	vcvt.f32.s32 v35;
	v31 =	vor.u32 v14, v31;
	v30 =	vand.u32 v13, v30  }
0xb1: {  	v37 =	vcvt.f32.s32 v37;
	v36 =	vor.u32 v16, v44;
	v31 =	vand.u32 v15, v31  }
0xb2: {  	[tilespmem:v29+s18+$0x0] =	vst.idx.add.f32.msk vm0, v2;
	v29 =	vcvt.f32.s32 v34;
	v45 =	vor.u32 v18, v35;
	v46 =	vand.u32 v17, v36  }
0xb3: {  	[tilespmem:v32+s18+$0x0] =	vst.idx.add.f32.msk vm7, v2;
	v47 =	vor.u32 v20, v37;
	v34 =	vand.u32 v19, v45  }
0xb4: {  	v29 =	vor.u32 v22, v29;
	v32 =	vand.u32 v21, v47;
	[tilespmem:v33+s18+$0x0] =	vst.idx.add.f32.msk vm3, v2  }
0xb5: {  	v29 =	vand.u32 v23, v29;
	[tilespmem:v30+s18+$0x0] =	vst.idx.add.f32.msk vm4, v2  }
0xb6: {  	[tilespmem:v31+s18+$0x0] =	vst.idx.add.f32.msk vm6, v2  }
0xb7: {  	[tilespmem:v46+s18+$0x0] =	vst.idx.add.f32.msk vm1, v2  }
0xb8: {  	[tilespmem:v34+s18+$0x0] =	vst.idx.add.f32.msk vm2, v2  }
0xb9: {  	s25 =	sshll.u32 s24, $0xD;
	p0 =	seq.s32 s24, $0xF;
	[tilespmem:v32+s18+$0x0] =	vst.idx.add.f32.msk vm5, v2  }
0xba: {  	s26 =	sadd.s32 @!p0 s25, s8;
	s28 =	simm.s32 @!p0 $0x0;
	[tilespmem:v29+s18+$0x0] =	vst.idx.add.f32.msk vm8, v2  }
0xbb: {  	[tilespmem:s28], [sflag:$0x1] =	stream.linear.gather @!p0 [hbm4b:s26+s28], $0x8000, $0x38;
	[tilespmem:$0x12280] =	vst v63  }
0xbc: {  	s31 =	simm.s32 $0x0;
	_ =	swait.ge [sflag:s19], $0x8000  }
0xbd: {  	s28 =	sand.u32 $0x7800, s31;
	s26 =	sand.u32 $0x380, s31;
	[sflag:s19] =	ssyncset.done $0x0  }
0xbe: {  	s26 =	sor.u32 s26, s28;
	[sflag:s19] =	ssyncadd.s32 $0xFFFF8000  }
0xbf: {  	v31 =	vld [tilespmem:s26+$0x8070]  }
0xc0: {  	v29 =	vld [tilespmem:s26+$0x8000]  }
0xc1: {  	v48 =	vld [tilespmem:s26+$0x8010]  }
0xc2: {  	v49 =	vld [tilespmem:s26+$0x8020]  }
0xc3: {  	v50 =	vld [tilespmem:s26+$0x8030]  }
0xc4: {  	v51 =	vld [tilespmem:s26+$0x8040]  }
0xc5: {  	v30 =	vld [tilespmem:s26+$0x8050];
	_ =	sdelay $0x1  }
0xc6: {  	v52 =	vmul.f32 v31, v26;
	v53 =	vmul.f32 v29, v26;
	vm2 =	vlt.f32 v29, v28  }
0xc7: {  	v54 =	vmul.f32 v48, v26;
	vm3 =	vlt.f32 v48, v28;
	v29 =	vld [tilespmem:s26+$0x8060];
	v57 =	vmul.f32 v49, v26  }
0xc8: {  	vm5 =	vlt.f32 v49, v28;
	v59 =	vmul.f32 v50, v26;
	v55 =	vadd.f32 v52, v27  }
0xc9: {  	v60 =	vmul.f32 v51, v26;
	v61 =	vmul.f32 v30, v26;
	vm7 =	vlt.f32 v31, v28  }
0xca: {  	v56 =	vadd.f32 v53, v27;
	v58 =	vadd.f32 v54, v27;
	v32 =	vtrunc.f32 v55  }
0xcb: {  	v37 =	vadd.f32 v57, v27;
	v41 =	vadd.f32 v59, v27;
	v40 =	vcvt.f32.s32 v32  }
0xcc: {  	v39 =	vadd.f32 v60, v27;
	v62 =	vadd.f32 v61, v27;
	v42 =	vmul.f32 v29, v26  }
0xcd: {  	v38 =	vtrunc.f32 v58;
	v35 =	vtrunc.f32 v37;
	v31 =	vand.u32 $0xFFFFFF00, v40  }
0xce: {  	v37 =	vtrunc.f32 v41;
	v63 =	vadd.f32 v42, v27;
	v31 =	vor.u32 v9, v31  }
0xcf: {  	vm1 =	vlt.f32 v50, v28;
	v34 =	vtrunc.f32 v39;
	v36 =	vtrunc.f32 v62  }
0xd0: {  	s29 =	simm.s32 $0x80;
	s30 =	simm.s32 $0x100;
	s28 =	simm.s32 $0x0;
	vm0 =	vlt.f32 v51, v28;
	v32 =	vtrunc.f32 v56;
	v33 =	vtrunc.f32 v63  }
.LBB2_9:
0xd1: {  	v32 =	vcvt.f32.s32 v32;
	v38 =	vcvt.f32.s32 v38;
	vm4 =	vlt.f32 v30, v28  }
0xd2: {  	s31 =	sand.u32 $0x7800, s30;
	s0 =	sand.u32 $0x380, s29;
	s28 =	sadd.s32 $0x8, s28;
	vm10 =	vmmov vm2;
	vm9 =	vmmov vm3;
	vm8 =	vmmov vm5  }
0xd3: {  	v30 =	vcvt.f32.s32 v35;
	v35 =	vcvt.f32.s32 v37;
	vm6 =	vlt.f32 v29, v28;
	s0 =	sor.u32 s0, s31;
	p1 =	slt.u32 s28, $0x3F8;
	[tilespmem:v31+s18+$0x0] =	vst.idx.add.f32.msk vm7, v2  }
0xd4: {  	v31 =	vld [tilespmem:s0+$0x8070];
	v29 =	vand.u32 $0xFFFFFF00, v32;
	v32 =	vcvt.f32.s32 v34;
	v34 =	vcvt.f32.s32 v36  }
0xd5: {  	v33 =	vcvt.f32.s32 v33;
	v37 =	vand.u32 $0xFFFFFF00, v38;
	v30 =	vand.u32 $0xFFFFFF00, v30;
	v36 =	vld [tilespmem:s0+$0x8000]  }
0xd6: {  	v35 =	vand.u32 $0xFFFFFF00, v35;
	v38 =	vld [tilespmem:s0+$0x8010];
	v32 =	vand.u32 $0xFFFFFF00, v32;
	v34 =	vand.u32 $0xFFFFFF00, v34  }
0xd7: {  	v40 =	vor.u32 v1, v29;
	v37 =	vor.u32 v3, v37;
	v29 =	vand.u32 $0xFFFFFF00, v33;
	v39 =	vld [tilespmem:s0+$0x8020]  }
0xd8: {  	v41 =	vor.u32 v4, v30;
	v35 =	vor.u32 v5, v35;
	v42 =	vor.u32 v6, v32;
	v33 =	vld [tilespmem:s0+$0x8030]  }
0xd9: {  	v45 =	vor.u32 v8, v29;
	v44 =	vor.u32 v7, v34;
	v43 =	vld [tilespmem:s0+$0x8040];
	v32 =	vmul.f32 v31, v26  }
0xda: {  	v34 =	vmul.f32 v36, v26;
	vm2 =	vlt.f32 v36, v28;
	v30 =	vld [tilespmem:s0+$0x8050]  }
0xdb: {  	v36 =	vmul.f32 v38, v26;
	vm3 =	vlt.f32 v38, v28;
	v29 =	vld [tilespmem:s0+$0x8060];
	v32 =	vadd.f32 v32, v27  }
0xdc: {  	v34 =	vadd.f32 v34, v27;
	v38 =	vmul.f32 v39, v26;
	vm5 =	vlt.f32 v39, v28  }
0xdd: {  	v36 =	vadd.f32 v36, v27;
	v39 =	vmul.f32 v33, v26;
	v32 =	vtrunc.f32 v32;
	[tilespmem:v40+s18+$0x0] =	vst.idx.add.f32.msk vm10, v2  }
0xde: {  	v40 =	vadd.f32 v38, v27;
	v38 =	vmul.f32 v43, v26;
	v46 =	vcvt.f32.s32 v32;
	[tilespmem:v37+s18+$0x0] =	vst.idx.add.f32.msk vm9, v2  }
0xdf: {  	v32 =	vtrunc.f32 v34;
	v34 =	vadd.f32 v39, v27;
	v37 =	vmul.f32 v30, v26;
	[tilespmem:v41+s18+$0x0] =	vst.idx.add.f32.msk vm8, v2  }
.Ltmp5:
0xe0: {  	vm7 =	vlt.f32 v31, v28;
	v39 =	vmul.f32 v29, v26;
	v31 =	vand.u32 $0xFFFFFF00, v46;
	[tilespmem:v35+s18+$0x0] =	vst.idx.add.f32.msk vm1, v2;
	(pc) =	sbr.rel @p1 .LBB2_9-.Ltmp5, $4  }
0xe1: {  	v41 =	vadd.f32 v38, v27;
	v46 =	vadd.f32 v37, v27;
	v31 =	vor.u32 v9, v31  }
0xe2: {  	v38 =	vtrunc.f32 v36;
	v35 =	vtrunc.f32 v40;
	v39 =	vadd.f32 v39, v27;
	[tilespmem:v42+s18+$0x0] =	vst.idx.add.f32.msk vm0, v2  }
0xe3: {  	vm1 =	vlt.f32 v33, v28;
	v37 =	vtrunc.f32 v34;
	v34 =	vtrunc.f32 v41;
	[tilespmem:v44+s18+$0x0] =	vst.idx.add.f32.msk vm4, v2  }
0xe4: {  	s29 =	sadd.s32 $0x80, s29;
	s30 =	sadd.s32 $0x100, s30;
	vm0 =	vlt.f32 v43, v28;
	v36 =	vtrunc.f32 v46;
	v33 =	vtrunc.f32 v39;
	[tilespmem:v45+s18+$0x0] =	vst.idx.add.f32.msk vm6, v2  }
0xe5: {  	v32 =	vcvt.f32.s32 v32  }
0xe6: {  	v38 =	vcvt.f32.s32 v38;
	vm2 =	vmmov vm2;
	vm3 =	vmmov vm3  }
0xe7: {  	vm4 =	vmmov vm5;
	v35 =	vcvt.f32.s32 v35;
	v32 =	vand.u32 $0xFFFFFF00, v32  }
0xe8: {  	v37 =	vcvt.f32.s32 v37;
	v38 =	vand.u32 $0xFFFFFF00, v38;
	v32 =	vor.u32 v1, v32  }
0xe9: {  	v34 =	vcvt.f32.s32 v34;
	v35 =	vand.u32 $0xFFFFFF00, v35;
	v38 =	vor.u32 v3, v38  }
0xea: {  	v36 =	vcvt.f32.s32 v36;
	v37 =	vand.u32 $0xFFFFFF00, v37;
	v35 =	vor.u32 v4, v35  }
0xeb: {  	v33 =	vcvt.f32.s32 v33;
	v34 =	vand.u32 $0xFFFFFF00, v34;
	v37 =	vor.u32 v5, v37  }
0xec: {  	vm5 =	vlt.f32 v30, v28;
	[tilespmem:v31+s18+$0x0] =	vst.idx.add.f32.msk vm7, v2;
	v30 =	vand.u32 $0xFFFFFF00, v36;
	v31 =	vor.u32 v6, v34  }
0xed: {  	vm6 =	vlt.f32 v29, v28;
	v29 =	vand.u32 $0xFFFFFF00, v33;
	v30 =	vor.u32 v7, v30;
	[tilespmem:v32+s18+$0x0] =	vst.idx.add.f32.msk vm2, v2  }
0xee: {  	v29 =	vor.u32 v8, v29;
	[tilespmem:v38+s18+$0x0] =	vst.idx.add.f32.msk vm3, v2  }
0xef: {  	[tilespmem:v35+s18+$0x0] =	vst.idx.add.f32.msk vm4, v2  }
0xf0: {  	[tilespmem:v37+s18+$0x0] =	vst.idx.add.f32.msk vm1, v2  }
0xf1: {  	[tilespmem:v31+s18+$0x0] =	vst.idx.add.f32.msk vm0, v2  }
0xf2: {  	[tilespmem:v30+s18+$0x0] =	vst.idx.add.f32.msk vm5, v2  }
0xf3: {  	[tilespmem:v29+s18+$0x0] =	vst.idx.add.f32.msk vm6, v2  }
0xf4: {  	v29 =	vld [tilespmem:s26+$0x8470]  }
0xf5: {  	v30 =	vld [tilespmem:s26+$0x8400]  }
0xf6: {  	v31 =	vld [tilespmem:s26+$0x8410]  }
0xf7: {  	v32 =	vld [tilespmem:s26+$0x8420]  }
0xf8: {  	v50 =	vld [tilespmem:s26+$0x8430]  }
0xf9: {  	v51 =	vld [tilespmem:s26+$0x8440]  }
0xfa: {  	v37 =	vld [tilespmem:s26+$0x8450]  }
0xfb: {  	v38 =	vld [tilespmem:s26+$0x8460];
	_ =	sdelay $0x1  }
0xfc: {  	s0 =	simm.s32 $0x80;
	s31 =	simm.s32 $0x100;
	v52 =	vmul.f32 v29, v26;
	v53 =	vmul.f32 v30, v26  }
0xfd: {  	s0 =	sand.u32 $0x380, s0;
	s26 =	sand.u32 $0x7800, s31;
	vm0 =	vlt.f32 v30, v28;
	v30 =	vmul.f32 v31, v26;
	v54 =	vmul.f32 v32, v26  }
0xfe: {  	s0 =	sor.u32 s0, s26;
	vm3 =	vlt.f32 v31, v28;
	v39 =	vmul.f32 v50, v26;
	v40 =	vmul.f32 v51, v26  }
0xff: {  	v61 =	vld [tilespmem:s0+$0x8400];
	v41 =	vmul.f32 v37, v26;
	v42 =	vmul.f32 v38, v26;
	v35 =	vadd.f32 v52, v27  }
0x100: {  	vm4 =	vlt.f32 v29, v28;
	vm6 =	vlt.f32 v32, v28;
	vm1 =	vlt.f32 v50, v28  }
0x101: {  	vm2 =	vlt.f32 v51, v28;
	v31 =	vadd.f32 v53, v27;
	v35 =	vtrunc.f32 v35  }
0x102: {  	v30 =	vadd.f32 v30, v27;
	v36 =	vadd.f32 v54, v27;
	v35 =	vcvt.f32.s32 v35  }
0x103: {  	v63 =	vld [tilespmem:s0+$0x8410];
	vm5 =	vlt.f32 v37, v28;
	v39 =	vadd.f32 v39, v27;
	v29 =	vadd.f32 v40, v27  }
0x104: {  	v48 =	vld [tilespmem:s0+$0x8420];
	v55 =	vadd.f32 v41, v27;
	v54 =	vmul.f32 v61, v26;
	v35 =	vor.u32 v24, v35  }
0x105: {  	v31 =	vtrunc.f32 v31;
	v30 =	vtrunc.f32 v30;
	v35 =	vand.u32 v25, v35  }
0x106: {  	v56 =	vadd.f32 v42, v27;
	v36 =	vtrunc.f32 v36;
	v57 =	vtrunc.f32 v39  }
0x107: {  	v44 =	vld [tilespmem:s0+$0x8440];
	vm9 =	vmmov vm0;
	v29 =	vtrunc.f32 v29;
	v58 =	vtrunc.f32 v55  }
0x108: {  	v51 =	vld [tilespmem:s0+$0x8430];
	vm8 =	vmmov vm3;
	v59 =	vtrunc.f32 v56;
	v55 =	vmul.f32 v63, v26  }
0x109: {  	vm7 =	vmmov vm6;
	v56 =	vmul.f32 v48, v26;
	v31 =	vcvt.f32.s32 v31  }
0x10a: {  	vm0 =	vlt.f32 v38, v28;
	v30 =	vcvt.f32.s32 v30;
	v60 =	vcvt.f32.s32 v36;
	[tilespmem:v35+s18+$0x0] =	vst.idx.add.f32.msk vm4, v2  }
0x10b: {  	vm3 =	vlt.f32 v61, v28;
	v32 =	vcvt.f32.s32 v57;
	v29 =	vcvt.f32.s32 v29;
	v35 =	vld [tilespmem:s0+$0x8470]  }
0x10c: {  	vm6 =	vlt.f32 v48, v28;
	v33 =	vcvt.f32.s32 v58;
	v62 =	vcvt.f32.s32 v59  }
0x10d: {  	v57 =	vmul.f32 v51, v26;
	v58 =	vmul.f32 v44, v26;
	v36 =	vadd.f32 v55, v27  }
0x10e: {  	v31 =	vor.u32 v10, v31;
	v30 =	vor.u32 v12, v30;
	v34 =	vor.u32 v14, v60  }
0x10f: {  	v32 =	vor.u32 v16, v32;
	v29 =	vor.u32 v18, v29;
	v49 =	vand.u32 v11, v31  }
0x110: {  	v50 =	vand.u32 v13, v30;
	v30 =	vor.u32 v22, v62;
	v31 =	vld [tilespmem:s0+$0x8450];
	v53 =	vmul.f32 v35, v26  }
0x111: {  	v34 =	vand.u32 v15, v34;
	v43 =	vand.u32 v19, v29;
	v29 =	vand.u32 v23, v30;
	v30 =	vld [tilespmem:s0+$0x8460]  }
0x112: {  	v33 =	vor.u32 v20, v33;
	v52 =	vand.u32 v17, v32;
	v32 =	vadd.f32 v53, v27  }
0x113: {  	v38 =	vadd.f32 v56, v27;
	v59 =	vadd.f32 v57, v27;
	v45 =	vand.u32 v21, v33  }
0x114: {  	v33 =	vadd.f32 v54, v27;
	v39 =	vtrunc.f32 v36;
	[tilespmem:v49+s18+$0x0] =	vst.idx.add.f32.msk vm9, v2;
	v32 =	vtrunc.f32 v32  }
0x115: {  	v62 =	vadd.f32 v58, v27;
	[tilespmem:v50+s18+$0x0] =	vst.idx.add.f32.msk vm8, v2;
	v60 =	vmul.f32 v31, v26;
	v32 =	vcvt.f32.s32 v32  }
0x116: {  	v36 =	vtrunc.f32 v38;
	vm4 =	vlt.f32 v63, v28;
	[tilespmem:v34+s18+$0x0] =	vst.idx.add.f32.msk vm7, v2;
	v61 =	vmul.f32 v30, v26  }
0x117: {  	v63 =	vadd.f32 v60, v27;
	vm7 =	vlt.f32 v35, v28;
	v32 =	vor.u32 v24, v32  }
0x118: {  	v38 =	vtrunc.f32 v59;
	[tilespmem:v52+s18+$0x0] =	vst.idx.add.f32.msk vm1, v2;
	v34 =	vadd.f32 v61, v27;
	v32 =	vand.u32 v25, v32  }
0x119: {  	v33 =	vtrunc.f32 v33;
	vm1 =	vlt.f32 v51, v28;
	[tilespmem:v43+s18+$0x0] =	vst.idx.add.f32.msk vm2, v2;
	v37 =	vtrunc.f32 v63  }
0x11a: {  	s28 =	simm.s32 $0x100;
	s29 =	simm.s32 $0x200;
	s26 =	simm.s32 $0x8;
	vm2 =	vlt.f32 v44, v28;
	[tilespmem:v45+s18+$0x0] =	vst.idx.add.f32.msk vm5, v2;
	v35 =	vtrunc.f32 v62;
	v34 =	vtrunc.f32 v34  }
.LBB2_11:
0x11b: {  	v33 =	vcvt.f32.s32 v33;
	v39 =	vcvt.f32.s32 v39;
	vm5 =	vlt.f32 v31, v28  }
0x11c: {  	s0 =	sand.u32 $0x7800, s29;
	s30 =	sand.u32 $0x380, s28;
	s26 =	sadd.s32 $0x8, s26;
	[tilespmem:v29+s18+$0x0] =	vst.idx.add.f32.msk vm0, v2;
	vm10 =	vmmov vm3;
	vm9 =	vmmov vm4;
	vm8 =	vmmov vm6  }
0x11d: {  	v29 =	vcvt.f32.s32 v36;
	v31 =	vcvt.f32.s32 v38;
	vm0 =	vlt.f32 v30, v28;
	s0 =	sor.u32 s30, s0;
	p1 =	slt.u32 s26, $0x3F8;
	[tilespmem:v32+s18+$0x0] =	vst.idx.add.f32.msk vm7, v2  }
0x11e: {  	v32 =	vld [tilespmem:s0+$0x8470];
	v30 =	vor.u32 v10, v33;
	v33 =	vcvt.f32.s32 v35;
	v35 =	vcvt.f32.s32 v37  }
0x11f: {  	v34 =	vcvt.f32.s32 v34;
	v37 =	vor.u32 v12, v39;
	v29 =	vor.u32 v14, v29;
	v36 =	vld [tilespmem:s0+$0x8400]  }
0x120: {  	v31 =	vor.u32 v16, v31;
	v38 =	vld [tilespmem:s0+$0x8410];
	v33 =	vor.u32 v18, v33;
	v35 =	vor.u32 v20, v35  }
0x121: {  	v40 =	vand.u32 v11, v30;
	v37 =	vand.u32 v13, v37;
	v30 =	vor.u32 v22, v34;
	v39 =	vld [tilespmem:s0+$0x8420]  }
0x122: {  	v41 =	vand.u32 v15, v29;
	v42 =	vand.u32 v17, v31;
	v43 =	vand.u32 v19, v33;
	v34 =	vld [tilespmem:s0+$0x8430]  }
0x123: {  	v29 =	vand.u32 v23, v30;
	v45 =	vand.u32 v21, v35;
	v44 =	vld [tilespmem:s0+$0x8440];
	v33 =	vmul.f32 v32, v26  }
0x124: {  	v35 =	vmul.f32 v36, v26;
	vm3 =	vlt.f32 v36, v28;
	v31 =	vld [tilespmem:s0+$0x8450]  }
0x125: {  	v36 =	vmul.f32 v38, v26;
	vm4 =	vlt.f32 v38, v28;
	v30 =	vld [tilespmem:s0+$0x8460];
	v33 =	vadd.f32 v33, v27  }
0x126: {  	v35 =	vadd.f32 v35, v27;
	v38 =	vmul.f32 v39, v26;
	vm6 =	vlt.f32 v39, v28  }
0x127: {  	v36 =	vadd.f32 v36, v27;
	v39 =	vmul.f32 v34, v26;
	v33 =	vtrunc.f32 v33;
	[tilespmem:v40+s18+$0x0] =	vst.idx.add.f32.msk vm10, v2  }
0x128: {  	v38 =	vadd.f32 v38, v27;
	v40 =	vmul.f32 v44, v26;
	v46 =	vcvt.f32.s32 v33;
	[tilespmem:v37+s18+$0x0] =	vst.idx.add.f32.msk vm9, v2  }
0x129: {  	v33 =	vtrunc.f32 v35;
	v35 =	vadd.f32 v39, v27;
	v37 =	vmul.f32 v31, v26;
	[tilespmem:v41+s18+$0x0] =	vst.idx.add.f32.msk vm8, v2  }
.Ltmp6:
0x12a: {  	vm7 =	vlt.f32 v32, v28;
	v41 =	vmul.f32 v30, v26;
	v39 =	vor.u32 v24, v46;
	(pc) =	sbr.rel @p1 .LBB2_11-.Ltmp6, $4  }
0x12b: {  	v40 =	vadd.f32 v40, v27;
	v37 =	vadd.f32 v37, v27;
	v32 =	vand.u32 v25, v39  }
0x12c: {  	v39 =	vtrunc.f32 v36;
	v36 =	vtrunc.f32 v38;
	v41 =	vadd.f32 v41, v27;
	[tilespmem:v42+s18+$0x0] =	vst.idx.add.f32.msk vm1, v2  }
0x12d: {  	v38 =	vtrunc.f32 v35;
	vm1 =	vlt.f32 v34, v28;
	v35 =	vtrunc.f32 v40;
	[tilespmem:v43+s18+$0x0] =	vst.idx.add.f32.msk vm2, v2  }
0x12e: {  	s28 =	sadd.s32 $0x80, s28;
	s29 =	sadd.s32 $0x100, s29;
	vm2 =	vlt.f32 v44, v28;
	v37 =	vtrunc.f32 v37;
	v34 =	vtrunc.f32 v41;
	[tilespmem:v45+s18+$0x0] =	vst.idx.add.f32.msk vm5, v2  }
0x12f: {  	v33 =	vcvt.f32.s32 v33;
	v39 =	vcvt.f32.s32 v39;
	vm5 =	vlt.f32 v31, v28  }
0x130: {  	vm3 =	vmmov vm3;
	vm4 =	vmmov vm4;
	vm6 =	vmmov vm6  }
0x131: {  	v31 =	vcvt.f32.s32 v36;
	v60 =	vcvt.f32.s32 v38;
	v33 =	vor.u32 v10, v33  }
0x132: {  	vm8 =	vlt.f32 v30, v28;
	v30 =	vor.u32 v12, v39;
	v33 =	vand.u32 v11, v33  }
0x133: {  	v35 =	vcvt.f32.s32 v35;
	v31 =	vor.u32 v14, v31;
	v30 =	vand.u32 v13, v30  }
0x134: {  	v37 =	vcvt.f32.s32 v37;
	v36 =	vor.u32 v16, v60;
	v31 =	vand.u32 v15, v31  }
0x135: {  	[tilespmem:v29+s18+$0x0] =	vst.idx.add.f32.msk vm0, v2;
	v29 =	vcvt.f32.s32 v34;
	v61 =	vor.u32 v18, v35;
	v62 =	vand.u32 v17, v36  }
0x136: {  	[tilespmem:v32+s18+$0x0] =	vst.idx.add.f32.msk vm7, v2;
	v63 =	vor.u32 v20, v37;
	v34 =	vand.u32 v19, v61  }
0x137: {  	v29 =	vor.u32 v22, v29;
	v32 =	vand.u32 v21, v63;
	[tilespmem:v33+s18+$0x0] =	vst.idx.add.f32.msk vm3, v2  }
0x138: {  	v29 =	vand.u32 v23, v29;
	[tilespmem:v30+s18+$0x0] =	vst.idx.add.f32.msk vm4, v2  }
.Ltmp7:
0x139: {  	[tilespmem:v31+s18+$0x0] =	vst.idx.add.f32.msk vm6, v2;
	(pc) =	sbr.rel @p0 .LBB2_14-.Ltmp7, $4  }
0x13a: {  	[tilespmem:v62+s18+$0x0] =	vst.idx.add.f32.msk vm1, v2  }
0x13b: {  	[tilespmem:v34+s18+$0x0] =	vst.idx.add.f32.msk vm2, v2  }
0x13c: {  	[tilespmem:v32+s18+$0x0] =	vst.idx.add.f32.msk vm5, v2  }
0x13d: {  	[tilespmem:v29+s18+$0x0] =	vst.idx.add.f32.msk vm8, v2  }
.Ltmp8:
0x13e: {  	(pc) =	sbr.rel .LBB2_4-.Ltmp8, $3  }
0x13f: {  	_ =	sdelay $0x1  }
0x140: {  	s0 =	sadd.s32 s25, s9;
	s24 =	sadd.s32 $0x1, s24  }
0x141: {  	[tilespmem:s12], [sflag:$0x2] =	stream.linear.gather [hbm4b:s0+s3], $0x8000, $0x38;
	[tilespmem:$0x12280] =	vst v63  }
.LBB2_15:
0x142: {  	_ =	sfence.sel $0x180000  }
0x143: {  	[bflag:$0x0] =	sbarrier.arrive $0xFFFF  }
0x144: {  	_ =	strace $0x90000047  }
0x145: {  	[bflag:$0x2] =	sbarrier.arrive $0xFFFF  }
0x146: {  	p0 =	sne.s32 s2, $0x0;
	s0 =	rddreg [dreg:$0x3]  }
0x147: {  	s0 =	sadd.s32 @!p0 $0x100000, s0  }
0x148: {  	[sflag:s0] =	ssyncadd.tile.s32 @!p0 $0x1;
	_ =	shalt  }
.Lfunc_end2:
_tile_overlayer_lowered:
.L_overlay_start_2:
0x149: {  	(tag) =	ssettag $0x2  }
0x14a: {  	s0 =	rddreg [dreg:$0x0];
	s2 =	stileid.u32  }
0x14b: {  	s1 =	rddreg [dreg:$0x1];
	p0 =	sne.s32 s2, $0x0  }
0x14c: {  	s3 =	rddreg [dreg:$0x2];
	[bflag:$0x3] =	sbarrier.arrive $0xFFFF;
	s2 =	simm.s32 @!p0 $0x1C03  }
0x14d: {  	[timem:s3], [sflag:s2] =	dma.local @!p0 [hbm:s0], s1  }
0x14e: {  	s0 =	simm.s32 @!p0 $0x3  }
0x14f: {  	_ =	swait.ge @!p0 [sflag:s0], s1  }
0x150: {  	s1 =	ssub.s32 @!p0 $0x0, s1;
	[sflag:s0] =	ssyncset.done @!p0 $0x0  }
0x151: {  	[sflag:s0] =	ssyncadd.s32 @!p0 s1  }
0x152: {  	[bflag:$0x3] =	sbarrier.arrive $0xFFFF  }
0x153: {  	_ =	shalt  }

</sc_bundles>
